<compile_context>
chip_gen: v7x
topology: tpu7x:2x2x1
jax: 0.10.2.dev20260603
libtpu: 0.0.44.dev20260713+nightly
codegen_flags: <defaults>
</compile_context>

<pallas_src>
import functools
import jax
import jax.numpy as jnp
from jax import lax
from jax.experimental import pallas as pl
from jax.experimental.pallas import tpu as pltpu, tpu_sc as plsc

N = 50000
E = 800000
IN_DIM = 512
HID = 32
NUM_GRAPHS = 100
NODES_PER_GRAPH = 500

ER = E // 128
NC, NS = 2, 16
NW = NC * NS
S3_STEPS = 196
S1_ROWS = ER // NS
HWID = 16
ZPT = N // NS

_mesh = plsc.VectorSubcoreMesh(core_axis_name="c", subcore_axis_name="s")
_sc_params = pltpu.CompilerParams(use_tc_tiling_on_sc=False)



@functools.partial(
    pl.kernel,
    out_type=jax.ShapeDtypeStruct((NC, N, HWID), jnp.float32),
    mesh=_mesh,
    compiler_params=_sc_params,
    scratch_types=[
        pltpu.VMEM_SHARED((N, HWID), jnp.float32),
        pltpu.VMEM((S1_ROWS, 128), jnp.int32),
        pltpu.VMEM((1, 128), jnp.int32),
        pltpu.VMEM((128, HWID), jnp.float32),
        pltpu.SemaphoreType.DMA,
    ],
)
def _hist_call(src2d, dst2d, ones_hbm, zeros_hbm, hist_out,
               shared, idxs, idx_x, ones_v, sem):
    c = lax.axis_index("c")
    s = lax.axis_index("s")
    pltpu.sync_copy(zeros_hbm.at[pl.ds(s * ZPT, ZPT)],
                    shared.at[pl.ds(s * ZPT, ZPT)])
    pltpu.sync_copy(ones_hbm, ones_v)

    def run(edge2d):
        pltpu.sync_copy(edge2d.at[pl.ds(s * S1_ROWS, S1_ROWS)], idxs)

        @pl.when(s < ER - NS * S1_ROWS)
        def _():
            pltpu.sync_copy(edge2d.at[pl.ds(NS * S1_ROWS + s, 1)], idx_x)

        plsc.subcore_barrier()

        def fire(k, carry):
            pltpu.async_copy(ones_v, shared.at[idxs.at[k]], sem, add=True)
            return carry

        lax.fori_loop(0, S1_ROWS, fire, 0)

        @pl.when(s < ER - NS * S1_ROWS)
        def _():
            pltpu.async_copy(ones_v, shared.at[idx_x.at[0]], sem, add=True)

        def drain(k, carry):
            pltpu.make_async_copy(ones_hbm, ones_v, sem).wait()
            return carry

        lax.fori_loop(0, S1_ROWS, drain, 0)

        @pl.when(s < ER - NS * S1_ROWS)
        def _():
            pltpu.make_async_copy(ones_hbm, ones_v, sem).wait()

    @pl.when(c == 0)
    def _():
        run(src2d)

    @pl.when(c == 1)
    def _():
        run(dst2d)

    plsc.subcore_barrier()
    pltpu.sync_copy(shared.at[pl.ds(s * ZPT, ZPT)],
                    hist_out.at[c, pl.ds(s * ZPT, ZPT)])



def _dense_body(h_ref, hist_ref, wemb_ref, bemb_ref, wgcn_ref, h1_ref, m_ref):
    h1 = jnp.dot(h_ref[...], wemb_ref[...],
                 preferred_element_type=jnp.float32) + bemb_ref[...]
    h1_ref[...] = h1
    deg = hist_ref[0][:, 0:1]
    scale = lax.rsqrt(jnp.maximum(deg, 1.0))
    m_ref[...] = jnp.dot(h1, wgcn_ref[...],
                         preferred_element_type=jnp.float32) * scale


def _dense_call(h, hist, W_emb, b_emb, W_gcn):
    blk = 2000
    return pl.pallas_call(
        _dense_body,
        grid=(N // blk,),
        in_specs=[
            pl.BlockSpec((blk, IN_DIM), lambda i: (i, 0)),
            pl.BlockSpec((1, blk, HWID), lambda i: (0, i, 0)),
            pl.BlockSpec((IN_DIM, HID), lambda i: (0, 0)),
            pl.BlockSpec((1, HID), lambda i: (0, 0)),
            pl.BlockSpec((HID, HID), lambda i: (0, 0)),
        ],
        out_specs=[
            pl.BlockSpec((blk, HID), lambda i: (i, 0)),
            pl.BlockSpec((blk, HID), lambda i: (i, 0)),
        ],
        out_shape=[
            jax.ShapeDtypeStruct((N, HID), jnp.float32),
            jax.ShapeDtypeStruct((N, HID), jnp.float32),
        ],
    )(h, hist, W_emb, b_emb, W_gcn)



@functools.partial(
    pl.kernel,
    out_type=jax.ShapeDtypeStruct((NC, N, HID), jnp.float32),
    mesh=_mesh,
    compiler_params=_sc_params,
    scratch_types=[
        pltpu.VMEM_SHARED((N, HID), jnp.float32),
        pltpu.VMEM((4, 128), jnp.int32),
        pltpu.VMEM((4, 128), jnp.int32),
        pltpu.VMEM((512, HID), jnp.float32),
    ] + [pltpu.SemaphoreType.DMA] * 16,
)
def _gs_call(m_hbm, src2d, dst2d, zeros_hbm, agg_out,
             shared, sidx, didx, rows, *sems):
    gsem, ssem, sisem, disem = sems[0:4], sems[4:8], sems[8:12], sems[12:16]
    c = lax.axis_index("c")
    s = lax.axis_index("s")
    wid = s * NC + c
    pltpu.sync_copy(zeros_hbm.at[pl.ds(s * ZPT, ZPT)],
                    shared.at[pl.ds(s * ZPT, ZPT)])
    plsc.subcore_barrier()

    def row_of(k):
        return k * NW + wid

    def wait_iload(edge2d, buf, sem):
        pltpu.make_async_copy(edge2d.at[pl.ds(0, 1)],
                              buf, sem).wait()

    for b in range(4):
        pltpu.async_copy(src2d.at[pl.ds(row_of(b), 1)],
                         sidx.at[pl.ds(b, 1)], sisem[b])
        pltpu.async_copy(dst2d.at[pl.ds(row_of(b), 1)],
                         didx.at[pl.ds(b, 1)], disem[b])
    for b in range(4):
        wait_iload(src2d, sidx.at[pl.ds(b, 1)], sisem[b])
        pltpu.async_copy(m_hbm.at[sidx.at[b]],
                         rows.at[pl.ds(b * 128, 128)], gsem[b])

    def step(k, b):
        pred = row_of(k) < ER
        predn = row_of(k + 4) < ER

        @pl.when(pred)
        def _():
            pltpu.make_async_copy(m_hbm.at[sidx.at[b]],
                                  rows.at[pl.ds(b * 128, 128)],
                                  gsem[b]).wait()

        @pl.when(predn)
        def _():
            pltpu.async_copy(src2d.at[pl.ds(row_of(k + 4), 1)],
                             sidx.at[pl.ds(b, 1)], sisem[b])

        @pl.when(pred)
        def _():
            wait_iload(dst2d, didx.at[pl.ds(b, 1)], disem[b])
            pltpu.async_copy(rows.at[pl.ds(b * 128, 128)],
                             shared.at[didx.at[b]], ssem[b], add=True)
            pltpu.make_async_copy(rows.at[pl.ds(b * 128, 128)],
                                  shared.at[didx.at[b]], ssem[b]).wait()

        @pl.when(predn)
        def _():
            pltpu.async_copy(dst2d.at[pl.ds(row_of(k + 4), 1)],
                             didx.at[pl.ds(b, 1)], disem[b])
            wait_iload(src2d, sidx.at[pl.ds(b, 1)], sisem[b])
            pltpu.async_copy(m_hbm.at[sidx.at[b]],
                             rows.at[pl.ds(b * 128, 128)], gsem[b])

    def body(kk, carry):
        for b in range(4):
            step(4 * kk + b, b)
        return carry

    lax.fori_loop(0, S3_STEPS // 4, body, 0)

    plsc.subcore_barrier()
    pltpu.sync_copy(shared.at[pl.ds(s * ZPT, ZPT)],
                    agg_out.at[c, pl.ds(s * ZPT, ZPT)])



def _final_body(h1_ref, agg_ref, hist_ref, bg_ref, g_ref, beta_ref,
                hgp_ref):
    agg = agg_ref[0] + agg_ref[1]
    deg = hist_ref[0][:, 0:1]
    agg = agg * lax.rsqrt(jnp.maximum(deg, 1.0)) + bg_ref[...]
    xx = agg * g_ref[...] + beta_ref[...]
    xx = jnp.where(xx > 0, xx, 0.01 * xx)
    xx = h1_ref[...] + xx
    s0 = jnp.sum(xx[:NODES_PER_GRAPH], axis=0, keepdims=True)
    s1 = jnp.sum(xx[NODES_PER_GRAPH:], axis=0, keepdims=True)
    z = jnp.zeros((6, HID), jnp.float32)
    hgp_ref[...] = jnp.concatenate([s0, s1, z], axis=0) * (1.0 / NODES_PER_GRAPH)


def _final_call(h1, aggp, hist, bg, g, beta):
    blk = 2 * NODES_PER_GRAPH
    return pl.pallas_call(
        _final_body,
        grid=(N // blk,),
        in_specs=[
            pl.BlockSpec((blk, HID), lambda i: (i, 0)),
            pl.BlockSpec((NC, blk, HID), lambda i: (0, i, 0)),
            pl.BlockSpec((1, blk, HWID), lambda i: (1, i, 0)),
            pl.BlockSpec((1, HID), lambda i: (0, 0)),
            pl.BlockSpec((1, HID), lambda i: (0, 0)),
            pl.BlockSpec((1, HID), lambda i: (0, 0)),
        ],
        out_specs=pl.BlockSpec((8, HID), lambda i: (i, 0)),
        out_shape=jax.ShapeDtypeStruct((8 * (N // blk), HID), jnp.float32),
    )(h1, aggp, hist, bg, g, beta)



def _mlp_body(hg_ref, w0, b0, w1, b1, w2, b2, out_ref):
    y = jnp.maximum(jnp.dot(hg_ref[...], w0[...],
                            preferred_element_type=jnp.float32) + b0[...], 0.0)
    y = jnp.maximum(jnp.dot(y, w1[...],
                            preferred_element_type=jnp.float32) + b1[...], 0.0)
    out_ref[...] = jnp.dot(y, w2[...],
                           preferred_element_type=jnp.float32) + b2[...]


def _mlp_call(hg, W0, b0, W1, b1, W2, b2):
    return pl.pallas_call(
        _mlp_body,
        out_shape=jax.ShapeDtypeStruct((NUM_GRAPHS, 2), jnp.float32),
    )(hg, W0, b0, W1, b1, W2, b2)



def kernel(h, edge_index, id, e, W_emb, b_emb, W_gcn, b_gcn, gamma, beta,
           W0, b0, W1, b1, W2, b2):
    src2d = edge_index[0].reshape(ER, 128)
    dst2d = edge_index[1].reshape(ER, 128)
    ones_h = jnp.ones((128, HWID), jnp.float32)
    zeros_h = jnp.zeros((N, HWID), jnp.float32)
    zeros_a = jnp.zeros((N, HID), jnp.float32)

    hist = _hist_call(src2d, dst2d, ones_h, zeros_h)
    h1, m = _dense_call(h, hist, W_emb, b_emb.reshape(1, HID), W_gcn)
    aggp = _gs_call(m, src2d, dst2d, zeros_a)

    g = (gamma / jnp.sqrt(1.0 + 1e-5)).reshape(1, HID)
    hgp = _final_call(h1, aggp, hist, b_gcn.reshape(1, HID), g,
                      beta.reshape(1, HID))
    hg = hgp.reshape(N // (2 * NODES_PER_GRAPH), 8, HID)[:, :2]
    hg = hg.reshape(NUM_GRAPHS, HID)
    return _mlp_call(hg, W0, b0.reshape(1, 16), W1, b1.reshape(1, 8),
                     W2, b2.reshape(1, 2))

# --- scband reference (transcript-rebuilt; emitter-appended) ---
"""Pipeline reference for scband-gcnnet-35742717837811 (READ-ONLY COPY).

The authoritative reference and input builder live on the scoring server;
editing this copy changes nothing except your own understanding.
"""

import jax, jax.numpy as jnp
import numpy as np

N = 50000        # total nodes (100 graphs x 500 nodes)
E = 800000       # total edges
IN_DIM = 512
HID = 32
NUM_GRAPHS = 100
NODES_PER_GRAPH = 500
N_CLASSES = 2


def setup_inputs(seed: int = 0) -> dict:
    key = jax.random.key(seed)
    ks = jax.random.split(key, 16)
    h = jax.random.normal(ks[0], (N, IN_DIM), dtype=jnp.float32)
    edge_index = jax.random.randint(ks[1], (2, E), 0, N, dtype=jnp.int32)
    node_id = jax.random.randint(ks[2], (N,), 0, 24, dtype=jnp.int32)
    e = jax.random.normal(ks[3], (E, 16), dtype=jnp.float32)
    # embedding_h: Linear(IN_DIM, HID)
    W_emb = jax.random.normal(ks[4], (IN_DIM, HID), dtype=jnp.float32) / np.sqrt(IN_DIM)
    b_emb = jnp.zeros((HID,), dtype=jnp.float32)
    # GCNLayer GraphConv(HID, HID)
    W_gcn = jax.random.normal(ks[5], (HID, HID), dtype=jnp.float32) / np.sqrt(HID)
    b_gcn = jnp.zeros((HID,), dtype=jnp.float32)
    # BatchNorm1d(HID) in eval mode (running_mean=0, running_var=1)
    gamma = jnp.ones((HID,), dtype=jnp.float32)
    beta = jnp.zeros((HID,), dtype=jnp.float32)
    # MLPReadout(32, n_classes) with L=2: 32->16->8->2
    W0 = jax.random.normal(ks[6], (32, 16), dtype=jnp.float32) / np.sqrt(32)
    b0 = jnp.zeros((16,), dtype=jnp.float32)
    W1 = jax.random.normal(ks[7], (16, 8), dtype=jnp.float32) / np.sqrt(16)
    b1 = jnp.zeros((8,), dtype=jnp.float32)
    W2 = jax.random.normal(ks[8], (8, N_CLASSES), dtype=jnp.float32) / np.sqrt(8)
    b2 = jnp.zeros((N_CLASSES,), dtype=jnp.float32)
    return {"h": h, "edge_index": edge_index, "id": node_id, "e": e,
            "W_emb": W_emb, "b_emb": b_emb, "W_gcn": W_gcn, "b_gcn": b_gcn,
            "gamma": gamma, "beta": beta,
            "W0": W0, "b0": b0, "W1": W1, "b1": b1, "W2": W2, "b2": b2}


def reference(h, edge_index, id, e, W_emb, b_emb, W_gcn, b_gcn, gamma, beta, W0, b0, W1, b1, W2, b2):
    src = edge_index[0]
    dst = edge_index[1]
    # embedding_h + in_feat_dropout (p=0 -> identity)
    h1 = h @ W_emb + b_emb
    # GCNLayer: DGL GraphConv with norm='both'
    ones = jnp.ones((E,), dtype=jnp.float32)
    deg_out = jax.ops.segment_sum(ones, src, num_segments=N)
    deg_in = jax.ops.segment_sum(ones, dst, num_segments=N)
    deg_out = jnp.clip(deg_out, 1.0, None)
    deg_in = jnp.clip(deg_in, 1.0, None)
    hw = h1 @ W_gcn
    m = hw * (deg_out ** -0.5)[:, None]
    gathered = jnp.take(m, src, axis=0)
    agg = jax.ops.segment_sum(gathered, dst, num_segments=N)
    agg = agg * (deg_in ** -0.5)[:, None] + b_gcn
    # batch norm (eval, running stats mean=0, var=1)
    x = agg * (gamma / jnp.sqrt(1.0 + 1e-5)) + beta
    # activation F.leaky_relu
    x = jax.nn.leaky_relu(x, negative_slope=0.01)
    # residual
    x = h1 + x
    # dgl.mean_nodes over batched graphs (equal-sized graphs)
    graph_ids = jnp.arange(N, dtype=jnp.int32) // NODES_PER_GRAPH
    hg = jax.ops.segment_sum(x, graph_ids, num_segments=NUM_GRAPHS) / float(NODES_PER_GRAPH)
    # MLPReadout: 32 -> 16 -> 8 -> n_classes with ReLU
    y = jax.nn.relu(hg @ W0 + b0)
    y = jax.nn.relu(y @ W1 + b1)
    pred = y @ W2 + b2
    return pred

if __name__ == "__main__":
    import jax
    _d = setup_inputs()
    print(jax.jit(kernel)(*tuple(_d.values())))

</pallas_src>

<mosaic_0001>
#map = affine_map<(d0, d1) -> (0, 0)>
#map1 = affine_map<(d0, d1) -> (0, 0, 0)>
module attributes {stable_mosaic.version = 14 : i64} {
  func.func @_hist_call(%arg0: i32, %arg1: i32, %arg2: memref<6250x128xi32, #tpu.memory_space<hbm>>, %arg3: memref<6250x128xi32, #tpu.memory_space<hbm>>, %arg4: memref<128x16xf32, #tpu.memory_space<hbm>>, %arg5: memref<50000x16xf32, #tpu.memory_space<hbm>>, %arg6: memref<2x50000x16xf32, #tpu.memory_space<hbm>>, %arg7: memref<50000x16xf32, #tpu.memory_space<vmem_shared>>, %arg8: memref<390x128xi32, #tpu.memory_space<vmem>>, %arg9: memref<1x128xi32, #tpu.memory_space<vmem>>, %arg10: memref<128x16xf32, #tpu.memory_space<vmem>>, %arg11: memref<!tpu.dma_semaphore, #tpu.memory_space<semaphore_mem>>) attributes {dimension_semantics = [#tpu.dimension_semantics<core_parallel>, #tpu.dimension_semantics<subcore_parallel>], iteration_bounds = array<i64: 2, 16>, scalar_prefetch = 0 : i64, scratch_operands = 5 : i64, tpu.core_type = #tpu.core_type<sc_vector_subcore>, window_params = [{transform_indices = #map}, {transform_indices = #map}, {transform_indices = #map}, {transform_indices = #map}, {transform_indices = #map1}]} {
    %mul3A = arith.constant 3125 : i32
    %mul3A_0 = arith.muli %arg1, %mul3A : i32
    %mul3A_1 = arith.constant 3125 : i32
    %mul3A_2 = arith.muli %arg1, %mul3A_1 : i32
    "tpu.region"() ({
      %run_scoped3A = tpu.sem_alloc : memref<!tpu.dma_semaphore, #tpu.memory_space<semaphore_mem>>
      %dma_start3A = arith.constant 0 : i32
      %dma_start3A_14 = tpu.memref_slice %arg7[%mul3A_2, %dma_start3A] : memref<50000x16xf32, #tpu.memory_space<vmem_shared>> -> memref<3125x16xf32, #tpu.memory_space<vmem_shared>>
      %dma_start3A_15 = arith.constant 0 : i32
      %dma_start3A_16 = tpu.memref_slice %arg5[%mul3A_0, %dma_start3A_15] : memref<50000x16xf32, #tpu.memory_space<hbm>> -> memref<3125x16xf32, #tpu.memory_space<hbm>>
      tpu.enqueue_dma source(%dma_start3A_16 : memref<3125x16xf32, #tpu.memory_space<hbm>>) target(%dma_start3A_14 : memref<3125x16xf32, #tpu.memory_space<vmem_shared>>) target_semaphore(%run_scoped3A : memref<!tpu.dma_semaphore, #tpu.memory_space<semaphore_mem>>)
      %dma_wait3A = arith.constant 0 : i32
      %dma_wait3A_17 = tpu.memref_slice %arg7[%mul3A_2, %dma_wait3A] : memref<50000x16xf32, #tpu.memory_space<vmem_shared>> -> memref<3125x16xf32, #tpu.memory_space<vmem_shared>>
      %dma_wait3A_18 = arith.constant 0 : i32
      %dma_wait3A_19 = tpu.memref_slice %arg5[%mul3A_0, %dma_wait3A_18] : memref<50000x16xf32, #tpu.memory_space<hbm>> -> memref<3125x16xf32, #tpu.memory_space<hbm>>
      tpu.wait_dma2 semaphore(%run_scoped3A : memref<!tpu.dma_semaphore, #tpu.memory_space<semaphore_mem>>) src(%dma_wait3A_19 : memref<3125x16xf32, #tpu.memory_space<hbm>>) dst(%dma_wait3A_17 : memref<3125x16xf32, #tpu.memory_space<vmem_shared>>)
      tpu.yield
    }) : () -> ()
    "tpu.region"() ({
      %run_scoped3A = tpu.sem_alloc : memref<!tpu.dma_semaphore, #tpu.memory_space<semaphore_mem>>
      tpu.enqueue_dma source(%arg4 : memref<128x16xf32, #tpu.memory_space<hbm>>) target(%arg10 : memref<128x16xf32, #tpu.memory_space<vmem>>) target_semaphore(%run_scoped3A : memref<!tpu.dma_semaphore, #tpu.memory_space<semaphore_mem>>)
      tpu.wait_dma2 semaphore(%run_scoped3A : memref<!tpu.dma_semaphore, #tpu.memory_space<semaphore_mem>>) src(%arg4 : memref<128x16xf32, #tpu.memory_space<hbm>>) dst(%arg10 : memref<128x16xf32, #tpu.memory_space<vmem>>)
      tpu.yield
    }) : () -> ()
    %eq3A = arith.constant 0 : i32
    %eq3A_3 = arith.cmpi eq, %arg0, %eq3A : i32
    %convert_element_type3A = arith.extui %eq3A_3 : i1 to i32
    %cond3A = arith.constant 0 : i32
    %cond3A_4 = arith.cmpi ne, %convert_element_type3A, %cond3A : i32
    scf.if %cond3A_4 {
      %mul3A_14 = arith.constant 390 : i32
      %mul3A_15 = arith.muli %arg1, %mul3A_14 : i32
      "tpu.region"() ({
        %run_scoped3A = tpu.sem_alloc : memref<!tpu.dma_semaphore, #tpu.memory_space<semaphore_mem>>
        %dma_start3A = arith.constant 0 : i32
        %dma_start3A_42 = tpu.memref_slice %arg2[%mul3A_15, %dma_start3A] : memref<6250x128xi32, #tpu.memory_space<hbm>> -> memref<390x128xi32, #tpu.memory_space<hbm>>
        %dma_start3A_43 = arith.constant 0 : i32
        %dma_start3A_44 = tpu.memref_slice %arg2[%mul3A_15, %dma_start3A_43] : memref<6250x128xi32, #tpu.memory_space<hbm>> -> memref<390x128xi32, #tpu.memory_space<hbm>>
        tpu.enqueue_dma source(%dma_start3A_44 : memref<390x128xi32, #tpu.memory_space<hbm>>) target(%arg8 : memref<390x128xi32, #tpu.memory_space<vmem>>) target_semaphore(%run_scoped3A : memref<!tpu.dma_semaphore, #tpu.memory_space<semaphore_mem>>)
        %dma_wait3A = arith.constant 0 : i32
        %dma_wait3A_45 = tpu.memref_slice %arg2[%mul3A_15, %dma_wait3A] : memref<6250x128xi32, #tpu.memory_space<hbm>> -> memref<390x128xi32, #tpu.memory_space<hbm>>
        %dma_wait3A_46 = arith.constant 0 : i32
        %dma_wait3A_47 = tpu.memref_slice %arg2[%mul3A_15, %dma_wait3A_46] : memref<6250x128xi32, #tpu.memory_space<hbm>> -> memref<390x128xi32, #tpu.memory_space<hbm>>
        tpu.wait_dma2 semaphore(%run_scoped3A : memref<!tpu.dma_semaphore, #tpu.memory_space<semaphore_mem>>) src(%dma_wait3A_47 : memref<390x128xi32, #tpu.memory_space<hbm>>) dst(%arg8 : memref<390x128xi32, #tpu.memory_space<vmem>>)
        tpu.yield
      }) : () -> ()
      %lt3A = arith.constant 10 : i32
      %lt3A_16 = arith.cmpi slt, %arg1, %lt3A : i32
      %convert_element_type3A_17 = arith.extui %lt3A_16 : i1 to i32
      %cond3A_18 = arith.constant 0 : i32
      %cond3A_19 = arith.cmpi ne, %convert_element_type3A_17, %cond3A_18 : i32
      scf.if %cond3A_19 {
        %add3A = arith.constant 6240 : i32
        %add3A_42 = arith.addi %add3A, %arg1 : i32
        "tpu.region"() ({
          %run_scoped3A = tpu.sem_alloc : memref<!tpu.dma_semaphore, #tpu.memory_space<semaphore_mem>>
          %dma_start3A = arith.constant 0 : i32
          %dma_start3A_43 = tpu.memref_slice %arg2[%add3A_42, %dma_start3A] : memref<6250x128xi32, #tpu.memory_space<hbm>> -> memref<1x128xi32, #tpu.memory_space<hbm>>
          %dma_start3A_44 = arith.constant 0 : i32
          %dma_start3A_45 = tpu.memref_slice %arg2[%add3A_42, %dma_start3A_44] : memref<6250x128xi32, #tpu.memory_space<hbm>> -> memref<1x128xi32, #tpu.memory_space<hbm>>
          tpu.enqueue_dma source(%dma_start3A_45 : memref<1x128xi32, #tpu.memory_space<hbm>>) target(%arg9 : memref<1x128xi32, #tpu.memory_space<vmem>>) target_semaphore(%run_scoped3A : memref<!tpu.dma_semaphore, #tpu.memory_space<semaphore_mem>>)
          %dma_wait3A = arith.constant 0 : i32
          %dma_wait3A_46 = tpu.memref_slice %arg2[%add3A_42, %dma_wait3A] : memref<6250x128xi32, #tpu.memory_space<hbm>> -> memref<1x128xi32, #tpu.memory_space<hbm>>
          %dma_wait3A_47 = arith.constant 0 : i32
          %dma_wait3A_48 = tpu.memref_slice %arg2[%add3A_42, %dma_wait3A_47] : memref<6250x128xi32, #tpu.memory_space<hbm>> -> memref<1x128xi32, #tpu.memory_space<hbm>>
          tpu.wait_dma2 semaphore(%run_scoped3A : memref<!tpu.dma_semaphore, #tpu.memory_space<semaphore_mem>>) src(%dma_wait3A_48 : memref<1x128xi32, #tpu.memory_space<hbm>>) dst(%arg9 : memref<1x128xi32, #tpu.memory_space<vmem>>)
          tpu.yield
        }) : () -> ()
      } else {
      }
      %barrier3A_20 = arith.constant 0 : index
      tpu.barrier barrier_id(%barrier3A_20)
      %scan3A = arith.constant 0 : i32
      %scan3A_21 = arith.constant 0 : i32
      %scan3A_22 = arith.constant 390 : i32
      %scan3A_23 = arith.addi %scan3A_21, %scan3A_22 : i32
      %scan3A_24 = arith.constant 1 : i32
      scf.for %scan3A_42 = %scan3A_21 to %scan3A_23 step %scan3A_24  : i32 {
        %dma_start3A = arith.constant 0 : i32
        %dma_start3A_43 = tpu.memref_slice %arg8[%scan3A_42, %dma_start3A] : memref<390x128xi32, #tpu.memory_space<vmem>> -> memref<1x128xi32, #tpu.memory_space<vmem>>
        %dma_start3A_44 = tpu.memref_squeeze %dma_start3A_43 : memref<1x128xi32, #tpu.memory_space<vmem>> -> memref<128xi32, #tpu.memory_space<vmem>>
        %dma_start3A_45 = arith.constant 0 : i32
        %dma_start3A_46 = arith.constant 0 : i32
        %dma_start3A_47 = tpu.memref_slice %arg7[%dma_start3A_45, %dma_start3A_46] : memref<50000x16xf32, #tpu.memory_space<vmem_shared>> -> memref<50000x16xf32, #tpu.memory_space<vmem_shared>>
        tpu.enqueue_indirect_dma source(%arg10 : memref<128x16xf32, #tpu.memory_space<vmem>>) target(%dma_start3A_47 : memref<50000x16xf32, #tpu.memory_space<vmem_shared>>) offsets(%dma_start3A_44 : memref<128xi32, #tpu.memory_space<vmem>>) semaphore(%arg11 : memref<!tpu.dma_semaphore, #tpu.memory_space<semaphore_mem>>) {add = true}
      }
      %scan3A_25 = arith.constant 390 : i32
      %lt3A_26 = arith.constant 10 : i32
      %lt3A_27 = arith.cmpi slt, %arg1, %lt3A_26 : i32
      %convert_element_type3A_28 = arith.extui %lt3A_27 : i1 to i32
      %cond3A_29 = arith.constant 0 : i32
      %cond3A_30 = arith.cmpi ne, %convert_element_type3A_28, %cond3A_29 : i32
      scf.if %cond3A_30 {
        %dma_start3A = arith.constant 0 : i32
        %dma_start3A_42 = arith.constant 0 : i32
        %dma_start3A_43 = tpu.memref_slice %arg9[%dma_start3A, %dma_start3A_42] : memref<1x128xi32, #tpu.memory_space<vmem>> -> memref<1x128xi32, #tpu.memory_space<vmem>>
        %dma_start3A_44 = tpu.memref_squeeze %dma_start3A_43 : memref<1x128xi32, #tpu.memory_space<vmem>> -> memref<128xi32, #tpu.memory_space<vmem>>
        %dma_start3A_45 = arith.constant 0 : i32
        %dma_start3A_46 = arith.constant 0 : i32
        %dma_start3A_47 = tpu.memref_slice %arg7[%dma_start3A_45, %dma_start3A_46] : memref<50000x16xf32, #tpu.memory_space<vmem_shared>> -> memref<50000x16xf32, #tpu.memory_space<vmem_shared>>
        tpu.enqueue_indirect_dma source(%arg10 : memref<128x16xf32, #tpu.memory_space<vmem>>) target(%dma_start3A_47 : memref<50000x16xf32, #tpu.memory_space<vmem_shared>>) offsets(%dma_start3A_44 : memref<128xi32, #tpu.memory_space<vmem>>) semaphore(%arg11 : memref<!tpu.dma_semaphore, #tpu.memory_space<semaphore_mem>>) {add = true}
      } else {
      }
      %scan3A_31 = arith.constant 0 : i32
      %scan3A_32 = arith.constant 0 : i32
      %scan3A_33 = arith.constant 390 : i32
      %scan3A_34 = arith.addi %scan3A_32, %scan3A_33 : i32
      %scan3A_35 = arith.constant 1 : i32
      scf.for %scan3A_42 = %scan3A_32 to %scan3A_34 step %scan3A_35  : i32 {
        tpu.wait_dma2 semaphore(%arg11 : memref<!tpu.dma_semaphore, #tpu.memory_space<semaphore_mem>>) src(%arg4 : memref<128x16xf32, #tpu.memory_space<hbm>>) dst(%arg10 : memref<128x16xf32, #tpu.memory_space<vmem>>)
      }
      %scan3A_36 = arith.constant 390 : i32
      %lt3A_37 = arith.constant 10 : i32
      %lt3A_38 = arith.cmpi slt, %arg1, %lt3A_37 : i32
      %convert_element_type3A_39 = arith.extui %lt3A_38 : i1 to i32
      %cond3A_40 = arith.constant 0 : i32
      %cond3A_41 = arith.cmpi ne, %convert_element_type3A_39, %cond3A_40 : i32
      scf.if %cond3A_41 {
        tpu.wait_dma2 semaphore(%arg11 : memref<!tpu.dma_semaphore, #tpu.memory_space<semaphore_mem>>) src(%arg4 : memref<128x16xf32, #tpu.memory_space<hbm>>) dst(%arg10 : memref<128x16xf32, #tpu.memory_space<vmem>>)
      } else {
      }
    } else {
    }
    %eq3A_5 = arith.constant 1 : i32
    %eq3A_6 = arith.cmpi eq, %arg0, %eq3A_5 : i32
    %convert_element_type3A_7 = arith.extui %eq3A_6 : i1 to i32
    %cond3A_8 = arith.constant 0 : i32
    %cond3A_9 = arith.cmpi ne, %convert_element_type3A_7, %cond3A_8 : i32
    scf.if %cond3A_9 {
      %mul3A_14 = arith.constant 390 : i32
      %mul3A_15 = arith.muli %arg1, %mul3A_14 : i32
      "tpu.region"() ({
        %run_scoped3A = tpu.sem_alloc : memref<!tpu.dma_semaphore, #tpu.memory_space<semaphore_mem>>
        %dma_start3A = arith.constant 0 : i32
        %dma_start3A_42 = tpu.memref_slice %arg3[%mul3A_15, %dma_start3A] : memref<6250x128xi32, #tpu.memory_space<hbm>> -> memref<390x128xi32, #tpu.memory_space<hbm>>
        %dma_start3A_43 = arith.constant 0 : i32
        %dma_start3A_44 = tpu.memref_slice %arg3[%mul3A_15, %dma_start3A_43] : memref<6250x128xi32, #tpu.memory_space<hbm>> -> memref<390x128xi32, #tpu.memory_space<hbm>>
        tpu.enqueue_dma source(%dma_start3A_44 : memref<390x128xi32, #tpu.memory_space<hbm>>) target(%arg8 : memref<390x128xi32, #tpu.memory_space<vmem>>) target_semaphore(%run_scoped3A : memref<!tpu.dma_semaphore, #tpu.memory_space<semaphore_mem>>)
        %dma_wait3A = arith.constant 0 : i32
        %dma_wait3A_45 = tpu.memref_slice %arg3[%mul3A_15, %dma_wait3A] : memref<6250x128xi32, #tpu.memory_space<hbm>> -> memref<390x128xi32, #tpu.memory_space<hbm>>
        %dma_wait3A_46 = arith.constant 0 : i32
        %dma_wait3A_47 = tpu.memref_slice %arg3[%mul3A_15, %dma_wait3A_46] : memref<6250x128xi32, #tpu.memory_space<hbm>> -> memref<390x128xi32, #tpu.memory_space<hbm>>
        tpu.wait_dma2 semaphore(%run_scoped3A : memref<!tpu.dma_semaphore, #tpu.memory_space<semaphore_mem>>) src(%dma_wait3A_47 : memref<390x128xi32, #tpu.memory_space<hbm>>) dst(%arg8 : memref<390x128xi32, #tpu.memory_space<vmem>>)
        tpu.yield
      }) : () -> ()
      %lt3A = arith.constant 10 : i32
      %lt3A_16 = arith.cmpi slt, %arg1, %lt3A : i32
      %convert_element_type3A_17 = arith.extui %lt3A_16 : i1 to i32
      %cond3A_18 = arith.constant 0 : i32
      %cond3A_19 = arith.cmpi ne, %convert_element_type3A_17, %cond3A_18 : i32
      scf.if %cond3A_19 {
        %add3A = arith.constant 6240 : i32
        %add3A_42 = arith.addi %add3A, %arg1 : i32
        "tpu.region"() ({
          %run_scoped3A = tpu.sem_alloc : memref<!tpu.dma_semaphore, #tpu.memory_space<semaphore_mem>>
          %dma_start3A = arith.constant 0 : i32
          %dma_start3A_43 = tpu.memref_slice %arg3[%add3A_42, %dma_start3A] : memref<6250x128xi32, #tpu.memory_space<hbm>> -> memref<1x128xi32, #tpu.memory_space<hbm>>
          %dma_start3A_44 = arith.constant 0 : i32
          %dma_start3A_45 = tpu.memref_slice %arg3[%add3A_42, %dma_start3A_44] : memref<6250x128xi32, #tpu.memory_space<hbm>> -> memref<1x128xi32, #tpu.memory_space<hbm>>
          tpu.enqueue_dma source(%dma_start3A_45 : memref<1x128xi32, #tpu.memory_space<hbm>>) target(%arg9 : memref<1x128xi32, #tpu.memory_space<vmem>>) target_semaphore(%run_scoped3A : memref<!tpu.dma_semaphore, #tpu.memory_space<semaphore_mem>>)
          %dma_wait3A = arith.constant 0 : i32
          %dma_wait3A_46 = tpu.memref_slice %arg3[%add3A_42, %dma_wait3A] : memref<6250x128xi32, #tpu.memory_space<hbm>> -> memref<1x128xi32, #tpu.memory_space<hbm>>
          %dma_wait3A_47 = arith.constant 0 : i32
          %dma_wait3A_48 = tpu.memref_slice %arg3[%add3A_42, %dma_wait3A_47] : memref<6250x128xi32, #tpu.memory_space<hbm>> -> memref<1x128xi32, #tpu.memory_space<hbm>>
          tpu.wait_dma2 semaphore(%run_scoped3A : memref<!tpu.dma_semaphore, #tpu.memory_space<semaphore_mem>>) src(%dma_wait3A_48 : memref<1x128xi32, #tpu.memory_space<hbm>>) dst(%arg9 : memref<1x128xi32, #tpu.memory_space<vmem>>)
          tpu.yield
        }) : () -> ()
      } else {
      }
      %barrier3A_20 = arith.constant 0 : index
      tpu.barrier barrier_id(%barrier3A_20)
      %scan3A = arith.constant 0 : i32
      %scan3A_21 = arith.constant 0 : i32
      %scan3A_22 = arith.constant 390 : i32
      %scan3A_23 = arith.addi %scan3A_21, %scan3A_22 : i32
      %scan3A_24 = arith.constant 1 : i32
      scf.for %scan3A_42 = %scan3A_21 to %scan3A_23 step %scan3A_24  : i32 {
        %dma_start3A = arith.constant 0 : i32
        %dma_start3A_43 = tpu.memref_slice %arg8[%scan3A_42, %dma_start3A] : memref<390x128xi32, #tpu.memory_space<vmem>> -> memref<1x128xi32, #tpu.memory_space<vmem>>
        %dma_start3A_44 = tpu.memref_squeeze %dma_start3A_43 : memref<1x128xi32, #tpu.memory_space<vmem>> -> memref<128xi32, #tpu.memory_space<vmem>>
        %dma_start3A_45 = arith.constant 0 : i32
        %dma_start3A_46 = arith.constant 0 : i32
        %dma_start3A_47 = tpu.memref_slice %arg7[%dma_start3A_45, %dma_start3A_46] : memref<50000x16xf32, #tpu.memory_space<vmem_shared>> -> memref<50000x16xf32, #tpu.memory_space<vmem_shared>>
        tpu.enqueue_indirect_dma source(%arg10 : memref<128x16xf32, #tpu.memory_space<vmem>>) target(%dma_start3A_47 : memref<50000x16xf32, #tpu.memory_space<vmem_shared>>) offsets(%dma_start3A_44 : memref<128xi32, #tpu.memory_space<vmem>>) semaphore(%arg11 : memref<!tpu.dma_semaphore, #tpu.memory_space<semaphore_mem>>) {add = true}
      }
      %scan3A_25 = arith.constant 390 : i32
      %lt3A_26 = arith.constant 10 : i32
      %lt3A_27 = arith.cmpi slt, %arg1, %lt3A_26 : i32
      %convert_element_type3A_28 = arith.extui %lt3A_27 : i1 to i32
      %cond3A_29 = arith.constant 0 : i32
      %cond3A_30 = arith.cmpi ne, %convert_element_type3A_28, %cond3A_29 : i32
      scf.if %cond3A_30 {
        %dma_start3A = arith.constant 0 : i32
        %dma_start3A_42 = arith.constant 0 : i32
        %dma_start3A_43 = tpu.memref_slice %arg9[%dma_start3A, %dma_start3A_42] : memref<1x128xi32, #tpu.memory_space<vmem>> -> memref<1x128xi32, #tpu.memory_space<vmem>>
        %dma_start3A_44 = tpu.memref_squeeze %dma_start3A_43 : memref<1x128xi32, #tpu.memory_space<vmem>> -> memref<128xi32, #tpu.memory_space<vmem>>
        %dma_start3A_45 = arith.constant 0 : i32
        %dma_start3A_46 = arith.constant 0 : i32
        %dma_start3A_47 = tpu.memref_slice %arg7[%dma_start3A_45, %dma_start3A_46] : memref<50000x16xf32, #tpu.memory_space<vmem_shared>> -> memref<50000x16xf32, #tpu.memory_space<vmem_shared>>
        tpu.enqueue_indirect_dma source(%arg10 : memref<128x16xf32, #tpu.memory_space<vmem>>) target(%dma_start3A_47 : memref<50000x16xf32, #tpu.memory_space<vmem_shared>>) offsets(%dma_start3A_44 : memref<128xi32, #tpu.memory_space<vmem>>) semaphore(%arg11 : memref<!tpu.dma_semaphore, #tpu.memory_space<semaphore_mem>>) {add = true}
      } else {
      }
      %scan3A_31 = arith.constant 0 : i32
      %scan3A_32 = arith.constant 0 : i32
      %scan3A_33 = arith.constant 390 : i32
      %scan3A_34 = arith.addi %scan3A_32, %scan3A_33 : i32
      %scan3A_35 = arith.constant 1 : i32
      scf.for %scan3A_42 = %scan3A_32 to %scan3A_34 step %scan3A_35  : i32 {
        tpu.wait_dma2 semaphore(%arg11 : memref<!tpu.dma_semaphore, #tpu.memory_space<semaphore_mem>>) src(%arg4 : memref<128x16xf32, #tpu.memory_space<hbm>>) dst(%arg10 : memref<128x16xf32, #tpu.memory_space<vmem>>)
      }
      %scan3A_36 = arith.constant 390 : i32
      %lt3A_37 = arith.constant 10 : i32
      %lt3A_38 = arith.cmpi slt, %arg1, %lt3A_37 : i32
      %convert_element_type3A_39 = arith.extui %lt3A_38 : i1 to i32
      %cond3A_40 = arith.constant 0 : i32
      %cond3A_41 = arith.cmpi ne, %convert_element_type3A_39, %cond3A_40 : i32
      scf.if %cond3A_41 {
        tpu.wait_dma2 semaphore(%arg11 : memref<!tpu.dma_semaphore, #tpu.memory_space<semaphore_mem>>) src(%arg4 : memref<128x16xf32, #tpu.memory_space<hbm>>) dst(%arg10 : memref<128x16xf32, #tpu.memory_space<vmem>>)
      } else {
      }
    } else {
    }
    %barrier3A = arith.constant 0 : index
    tpu.barrier barrier_id(%barrier3A)
    %mul3A_10 = arith.constant 3125 : i32
    %mul3A_11 = arith.muli %arg1, %mul3A_10 : i32
    %mul3A_12 = arith.constant 3125 : i32
    %mul3A_13 = arith.muli %arg1, %mul3A_12 : i32
    "tpu.region"() ({
      %run_scoped3A = tpu.sem_alloc : memref<!tpu.dma_semaphore, #tpu.memory_space<semaphore_mem>>
      %dma_start3A = arith.constant 0 : i32
      %dma_start3A_14 = tpu.memref_slice %arg6[%arg0, %mul3A_13, %dma_start3A] : memref<2x50000x16xf32, #tpu.memory_space<hbm>> -> memref<1x3125x16xf32, #tpu.memory_space<hbm>>
      %dma_start3A_15 = tpu.memref_squeeze %dma_start3A_14 : memref<1x3125x16xf32, #tpu.memory_space<hbm>> -> memref<3125x16xf32, #tpu.memory_space<hbm>>
      %dma_start3A_16 = arith.constant 0 : i32
      %dma_start3A_17 = tpu.memref_slice %arg7[%mul3A_11, %dma_start3A_16] : memref<50000x16xf32, #tpu.memory_space<vmem_shared>> -> memref<3125x16xf32, #tpu.memory_space<vmem_shared>>
      tpu.enqueue_dma source(%dma_start3A_17 : memref<3125x16xf32, #tpu.memory_space<vmem_shared>>) target(%dma_start3A_15 : memref<3125x16xf32, #tpu.memory_space<hbm>>) target_semaphore(%run_scoped3A : memref<!tpu.dma_semaphore, #tpu.memory_space<semaphore_mem>>)
      %dma_wait3A = arith.constant 0 : i32
      %dma_wait3A_18 = tpu.memref_slice %arg6[%arg0, %mul3A_13, %dma_wait3A] : memref<2x50000x16xf32, #tpu.memory_space<hbm>> -> memref<1x3125x16xf32, #tpu.memory_space<hbm>>
      %dma_wait3A_19 = tpu.memref_squeeze %dma_wait3A_18 : memref<1x3125x16xf32, #tpu.memory_space<hbm>> -> memref<3125x16xf32, #tpu.memory_space<hbm>>
      %dma_wait3A_20 = arith.constant 0 : i32
      %dma_wait3A_21 = tpu.memref_slice %arg7[%mul3A_11, %dma_wait3A_20] : memref<50000x16xf32, #tpu.memory_space<vmem_shared>> -> memref<3125x16xf32, #tpu.memory_space<vmem_shared>>
      tpu.wait_dma2 semaphore(%run_scoped3A : memref<!tpu.dma_semaphore, #tpu.memory_space<semaphore_mem>>) src(%dma_wait3A_21 : memref<3125x16xf32, #tpu.memory_space<vmem_shared>>) dst(%dma_wait3A_19 : memref<3125x16xf32, #tpu.memory_space<hbm>>)
      tpu.yield
    }) : () -> ()
    return
  }
}

#map = affine_map<(d0, d1) -> (0, 0)>
#map1 = affine_map<(d0, d1) -> (0, 0, 0)>
module attributes {stable_mosaic.version = 14 : i64} {
  func.func @_gs_call(%arg0: i32, %arg1: i32, %arg2: memref<50000x32xf32, #tpu.memory_space<hbm>>, %arg3: memref<6250x128xi32, #tpu.memory_space<hbm>>, %arg4: memref<6250x128xi32, #tpu.memory_space<hbm>>, %arg5: memref<50000x32xf32, #tpu.memory_space<hbm>>, %arg6: memref<2x50000x32xf32, #tpu.memory_space<hbm>>, %arg7: memref<50000x32xf32, #tpu.memory_space<vmem_shared>>, %arg8: memref<4x128xi32, #tpu.memory_space<vmem>>, %arg9: memref<4x128xi32, #tpu.memory_space<vmem>>, %arg10: memref<512x32xf32, #tpu.memory_space<vmem>>, %arg11: memref<!tpu.dma_semaphore, #tpu.memory_space<semaphore_mem>>, %arg12: memref<!tpu.dma_semaphore, #tpu.memory_space<semaphore_mem>>, %arg13: memref<!tpu.dma_semaphore, #tpu.memory_space<semaphore_mem>>, %arg14: memref<!tpu.dma_semaphore, #tpu.memory_space<semaphore_mem>>, %arg15: memref<!tpu.dma_semaphore, #tpu.memory_space<semaphore_mem>>, %arg16: memref<!tpu.dma_semaphore, #tpu.memory_space<semaphore_mem>>, %arg17: memref<!tpu.dma_semaphore, #tpu.memory_space<semaphore_mem>>, %arg18: memref<!tpu.dma_semaphore, #tpu.memory_space<semaphore_mem>>, %arg19: memref<!tpu.dma_semaphore, #tpu.memory_space<semaphore_mem>>, %arg20: memref<!tpu.dma_semaphore, #tpu.memory_space<semaphore_mem>>, %arg21: memref<!tpu.dma_semaphore, #tpu.memory_space<semaphore_mem>>, %arg22: memref<!tpu.dma_semaphore, #tpu.memory_space<semaphore_mem>>, %arg23: memref<!tpu.dma_semaphore, #tpu.memory_space<semaphore_mem>>, %arg24: memref<!tpu.dma_semaphore, #tpu.memory_space<semaphore_mem>>, %arg25: memref<!tpu.dma_semaphore, #tpu.memory_space<semaphore_mem>>, %arg26: memref<!tpu.dma_semaphore, #tpu.memory_space<semaphore_mem>>) attributes {dimension_semantics = [#tpu.dimension_semantics<core_parallel>, #tpu.dimension_semantics<subcore_parallel>], iteration_bounds = array<i64: 2, 16>, scalar_prefetch = 0 : i64, scratch_operands = 20 : i64, tpu.core_type = #tpu.core_type<sc_vector_subcore>, window_params = [{transform_indices = #map}, {transform_indices = #map}, {transform_indices = #map}, {transform_indices = #map}, {transform_indices = #map1}]} {
    %mul3A = arith.constant 2 : i32
    %mul3A_0 = arith.muli %arg1, %mul3A : i32
    %add3A = arith.addi %mul3A_0, %arg0 : i32
    %mul3A_1 = arith.constant 3125 : i32
    %mul3A_2 = arith.muli %arg1, %mul3A_1 : i32
    %mul3A_3 = arith.constant 3125 : i32
    %mul3A_4 = arith.muli %arg1, %mul3A_3 : i32
    "tpu.region"() ({
      %run_scoped3A = tpu.sem_alloc : memref<!tpu.dma_semaphore, #tpu.memory_space<semaphore_mem>>
      %dma_start3A_197 = arith.constant 0 : i32
      %dma_start3A_198 = tpu.memref_slice %arg7[%mul3A_4, %dma_start3A_197] : memref<50000x32xf32, #tpu.memory_space<vmem_shared>> -> memref<3125x32xf32, #tpu.memory_space<vmem_shared>>
      %dma_start3A_199 = arith.constant 0 : i32
      %dma_start3A_200 = tpu.memref_slice %arg5[%mul3A_2, %dma_start3A_199] : memref<50000x32xf32, #tpu.memory_space<hbm>> -> memref<3125x32xf32, #tpu.memory_space<hbm>>
      tpu.enqueue_dma source(%dma_start3A_200 : memref<3125x32xf32, #tpu.memory_space<hbm>>) target(%dma_start3A_198 : memref<3125x32xf32, #tpu.memory_space<vmem_shared>>) target_semaphore(%run_scoped3A : memref<!tpu.dma_semaphore, #tpu.memory_space<semaphore_mem>>)
      %dma_wait3A_201 = arith.constant 0 : i32
      %dma_wait3A_202 = tpu.memref_slice %arg7[%mul3A_4, %dma_wait3A_201] : memref<50000x32xf32, #tpu.memory_space<vmem_shared>> -> memref<3125x32xf32, #tpu.memory_space<vmem_shared>>
      %dma_wait3A_203 = arith.constant 0 : i32
      %dma_wait3A_204 = tpu.memref_slice %arg5[%mul3A_2, %dma_wait3A_203] : memref<50000x32xf32, #tpu.memory_space<hbm>> -> memref<3125x32xf32, #tpu.memory_space<hbm>>
      tpu.wait_dma2 semaphore(%run_scoped3A : memref<!tpu.dma_semaphore, #tpu.memory_space<semaphore_mem>>) src(%dma_wait3A_204 : memref<3125x32xf32, #tpu.memory_space<hbm>>) dst(%dma_wait3A_202 : memref<3125x32xf32, #tpu.memory_space<vmem_shared>>)
      tpu.yield
    }) : () -> ()
    %barrier3A = arith.constant 0 : index
    tpu.barrier barrier_id(%barrier3A)
    %add3A_5 = arith.constant 0 : i32
    %add3A_6 = arith.addi %add3A_5, %add3A : i32
    %dma_start3A = arith.constant 0 : i32
    %dma_start3A_7 = arith.constant 0 : i32
    %dma_start3A_8 = tpu.memref_slice %arg8[%dma_start3A, %dma_start3A_7] : memref<4x128xi32, #tpu.memory_space<vmem>> -> memref<1x128xi32, #tpu.memory_space<vmem>>
    %dma_start3A_9 = arith.constant 0 : i32
    %dma_start3A_10 = tpu.memref_slice %arg3[%add3A_6, %dma_start3A_9] : memref<6250x128xi32, #tpu.memory_space<hbm>> -> memref<1x128xi32, #tpu.memory_space<hbm>>
    %dma_start3A_11 = arith.constant 0 : i32
    %dma_start3A_12 = arith.constant 0 : i32
    %dma_start3A_13 = tpu.memref_slice %arg8[%dma_start3A_11, %dma_start3A_12] : memref<4x128xi32, #tpu.memory_space<vmem>> -> memref<1x128xi32, #tpu.memory_space<vmem>>
    %dma_start3A_14 = arith.constant 0 : i32
    %dma_start3A_15 = tpu.memref_slice %arg3[%add3A_6, %dma_start3A_14] : memref<6250x128xi32, #tpu.memory_space<hbm>> -> memref<1x128xi32, #tpu.memory_space<hbm>>
    tpu.enqueue_dma source(%dma_start3A_15 : memref<1x128xi32, #tpu.memory_space<hbm>>) target(%dma_start3A_13 : memref<1x128xi32, #tpu.memory_space<vmem>>) target_semaphore(%arg19 : memref<!tpu.dma_semaphore, #tpu.memory_space<semaphore_mem>>)
    %add3A_16 = arith.constant 0 : i32
    %add3A_17 = arith.addi %add3A_16, %add3A : i32
    %dma_start3A_18 = arith.constant 0 : i32
    %dma_start3A_19 = arith.constant 0 : i32
    %dma_start3A_20 = tpu.memref_slice %arg9[%dma_start3A_18, %dma_start3A_19] : memref<4x128xi32, #tpu.memory_space<vmem>> -> memref<1x128xi32, #tpu.memory_space<vmem>>
    %dma_start3A_21 = arith.constant 0 : i32
    %dma_start3A_22 = tpu.memref_slice %arg4[%add3A_17, %dma_start3A_21] : memref<6250x128xi32, #tpu.memory_space<hbm>> -> memref<1x128xi32, #tpu.memory_space<hbm>>
    %dma_start3A_23 = arith.constant 0 : i32
    %dma_start3A_24 = arith.constant 0 : i32
    %dma_start3A_25 = tpu.memref_slice %arg9[%dma_start3A_23, %dma_start3A_24] : memref<4x128xi32, #tpu.memory_space<vmem>> -> memref<1x128xi32, #tpu.memory_space<vmem>>
    %dma_start3A_26 = arith.constant 0 : i32
    %dma_start3A_27 = tpu.memref_slice %arg4[%add3A_17, %dma_start3A_26] : memref<6250x128xi32, #tpu.memory_space<hbm>> -> memref<1x128xi32, #tpu.memory_space<hbm>>
    tpu.enqueue_dma source(%dma_start3A_27 : memref<1x128xi32, #tpu.memory_space<hbm>>) target(%dma_start3A_25 : memref<1x128xi32, #tpu.memory_space<vmem>>) target_semaphore(%arg23 : memref<!tpu.dma_semaphore, #tpu.memory_space<semaphore_mem>>)
    %add3A_28 = arith.constant 32 : i32
    %add3A_29 = arith.addi %add3A_28, %add3A : i32
    %dma_start3A_30 = arith.constant 1 : i32
    %dma_start3A_31 = arith.constant 0 : i32
    %dma_start3A_32 = tpu.memref_slice %arg8[%dma_start3A_30, %dma_start3A_31] : memref<4x128xi32, #tpu.memory_space<vmem>> -> memref<1x128xi32, #tpu.memory_space<vmem>>
    %dma_start3A_33 = arith.constant 0 : i32
    %dma_start3A_34 = tpu.memref_slice %arg3[%add3A_29, %dma_start3A_33] : memref<6250x128xi32, #tpu.memory_space<hbm>> -> memref<1x128xi32, #tpu.memory_space<hbm>>
    %dma_start3A_35 = arith.constant 1 : i32
    %dma_start3A_36 = arith.constant 0 : i32
    %dma_start3A_37 = tpu.memref_slice %arg8[%dma_start3A_35, %dma_start3A_36] : memref<4x128xi32, #tpu.memory_space<vmem>> -> memref<1x128xi32, #tpu.memory_space<vmem>>
    %dma_start3A_38 = arith.constant 0 : i32
    %dma_start3A_39 = tpu.memref_slice %arg3[%add3A_29, %dma_start3A_38] : memref<6250x128xi32, #tpu.memory_space<hbm>> -> memref<1x128xi32, #tpu.memory_space<hbm>>
    tpu.enqueue_dma source(%dma_start3A_39 : memref<1x128xi32, #tpu.memory_space<hbm>>) target(%dma_start3A_37 : memref<1x128xi32, #tpu.memory_space<vmem>>) target_semaphore(%arg20 : memref<!tpu.dma_semaphore, #tpu.memory_space<semaphore_mem>>)
    %add3A_40 = arith.constant 32 : i32
    %add3A_41 = arith.addi %add3A_40, %add3A : i32
    %dma_start3A_42 = arith.constant 1 : i32
    %dma_start3A_43 = arith.constant 0 : i32
    %dma_start3A_44 = tpu.memref_slice %arg9[%dma_start3A_42, %dma_start3A_43] : memref<4x128xi32, #tpu.memory_space<vmem>> -> memref<1x128xi32, #tpu.memory_space<vmem>>
    %dma_start3A_45 = arith.constant 0 : i32
    %dma_start3A_46 = tpu.memref_slice %arg4[%add3A_41, %dma_start3A_45] : memref<6250x128xi32, #tpu.memory_space<hbm>> -> memref<1x128xi32, #tpu.memory_space<hbm>>
    %dma_start3A_47 = arith.constant 1 : i32
    %dma_start3A_48 = arith.constant 0 : i32
    %dma_start3A_49 = tpu.memref_slice %arg9[%dma_start3A_47, %dma_start3A_48] : memref<4x128xi32, #tpu.memory_space<vmem>> -> memref<1x128xi32, #tpu.memory_space<vmem>>
    %dma_start3A_50 = arith.constant 0 : i32
    %dma_start3A_51 = tpu.memref_slice %arg4[%add3A_41, %dma_start3A_50] : memref<6250x128xi32, #tpu.memory_space<hbm>> -> memref<1x128xi32, #tpu.memory_space<hbm>>
    tpu.enqueue_dma source(%dma_start3A_51 : memref<1x128xi32, #tpu.memory_space<hbm>>) target(%dma_start3A_49 : memref<1x128xi32, #tpu.memory_space<vmem>>) target_semaphore(%arg24 : memref<!tpu.dma_semaphore, #tpu.memory_space<semaphore_mem>>)
    %add3A_52 = arith.constant 64 : i32
    %add3A_53 = arith.addi %add3A_52, %add3A : i32
    %dma_start3A_54 = arith.constant 2 : i32
    %dma_start3A_55 = arith.constant 0 : i32
    %dma_start3A_56 = tpu.memref_slice %arg8[%dma_start3A_54, %dma_start3A_55] : memref<4x128xi32, #tpu.memory_space<vmem>> -> memref<1x128xi32, #tpu.memory_space<vmem>>
    %dma_start3A_57 = arith.constant 0 : i32
    %dma_start3A_58 = tpu.memref_slice %arg3[%add3A_53, %dma_start3A_57] : memref<6250x128xi32, #tpu.memory_space<hbm>> -> memref<1x128xi32, #tpu.memory_space<hbm>>
    %dma_start3A_59 = arith.constant 2 : i32
    %dma_start3A_60 = arith.constant 0 : i32
    %dma_start3A_61 = tpu.memref_slice %arg8[%dma_start3A_59, %dma_start3A_60] : memref<4x128xi32, #tpu.memory_space<vmem>> -> memref<1x128xi32, #tpu.memory_space<vmem>>
    %dma_start3A_62 = arith.constant 0 : i32
    %dma_start3A_63 = tpu.memref_slice %arg3[%add3A_53, %dma_start3A_62] : memref<6250x128xi32, #tpu.memory_space<hbm>> -> memref<1x128xi32, #tpu.memory_space<hbm>>
    tpu.enqueue_dma source(%dma_start3A_63 : memref<1x128xi32, #tpu.memory_space<hbm>>) target(%dma_start3A_61 : memref<1x128xi32, #tpu.memory_space<vmem>>) target_semaphore(%arg21 : memref<!tpu.dma_semaphore, #tpu.memory_space<semaphore_mem>>)
    %add3A_64 = arith.constant 64 : i32
    %add3A_65 = arith.addi %add3A_64, %add3A : i32
    %dma_start3A_66 = arith.constant 2 : i32
    %dma_start3A_67 = arith.constant 0 : i32
    %dma_start3A_68 = tpu.memref_slice %arg9[%dma_start3A_66, %dma_start3A_67] : memref<4x128xi32, #tpu.memory_space<vmem>> -> memref<1x128xi32, #tpu.memory_space<vmem>>
    %dma_start3A_69 = arith.constant 0 : i32
    %dma_start3A_70 = tpu.memref_slice %arg4[%add3A_65, %dma_start3A_69] : memref<6250x128xi32, #tpu.memory_space<hbm>> -> memref<1x128xi32, #tpu.memory_space<hbm>>
    %dma_start3A_71 = arith.constant 2 : i32
    %dma_start3A_72 = arith.constant 0 : i32
    %dma_start3A_73 = tpu.memref_slice %arg9[%dma_start3A_71, %dma_start3A_72] : memref<4x128xi32, #tpu.memory_space<vmem>> -> memref<1x128xi32, #tpu.memory_space<vmem>>
    %dma_start3A_74 = arith.constant 0 : i32
    %dma_start3A_75 = tpu.memref_slice %arg4[%add3A_65, %dma_start3A_74] : memref<6250x128xi32, #tpu.memory_space<hbm>> -> memref<1x128xi32, #tpu.memory_space<hbm>>
    tpu.enqueue_dma source(%dma_start3A_75 : memref<1x128xi32, #tpu.memory_space<hbm>>) target(%dma_start3A_73 : memref<1x128xi32, #tpu.memory_space<vmem>>) target_semaphore(%arg25 : memref<!tpu.dma_semaphore, #tpu.memory_space<semaphore_mem>>)
    %add3A_76 = arith.constant 96 : i32
    %add3A_77 = arith.addi %add3A_76, %add3A : i32
    %dma_start3A_78 = arith.constant 3 : i32
    %dma_start3A_79 = arith.constant 0 : i32
    %dma_start3A_80 = tpu.memref_slice %arg8[%dma_start3A_78, %dma_start3A_79] : memref<4x128xi32, #tpu.memory_space<vmem>> -> memref<1x128xi32, #tpu.memory_space<vmem>>
    %dma_start3A_81 = arith.constant 0 : i32
    %dma_start3A_82 = tpu.memref_slice %arg3[%add3A_77, %dma_start3A_81] : memref<6250x128xi32, #tpu.memory_space<hbm>> -> memref<1x128xi32, #tpu.memory_space<hbm>>
    %dma_start3A_83 = arith.constant 3 : i32
    %dma_start3A_84 = arith.constant 0 : i32
    %dma_start3A_85 = tpu.memref_slice %arg8[%dma_start3A_83, %dma_start3A_84] : memref<4x128xi32, #tpu.memory_space<vmem>> -> memref<1x128xi32, #tpu.memory_space<vmem>>
    %dma_start3A_86 = arith.constant 0 : i32
    %dma_start3A_87 = tpu.memref_slice %arg3[%add3A_77, %dma_start3A_86] : memref<6250x128xi32, #tpu.memory_space<hbm>> -> memref<1x128xi32, #tpu.memory_space<hbm>>
    tpu.enqueue_dma source(%dma_start3A_87 : memref<1x128xi32, #tpu.memory_space<hbm>>) target(%dma_start3A_85 : memref<1x128xi32, #tpu.memory_space<vmem>>) target_semaphore(%arg22 : memref<!tpu.dma_semaphore, #tpu.memory_space<semaphore_mem>>)
    %add3A_88 = arith.constant 96 : i32
    %add3A_89 = arith.addi %add3A_88, %add3A : i32
    %dma_start3A_90 = arith.constant 3 : i32
    %dma_start3A_91 = arith.constant 0 : i32
    %dma_start3A_92 = tpu.memref_slice %arg9[%dma_start3A_90, %dma_start3A_91] : memref<4x128xi32, #tpu.memory_space<vmem>> -> memref<1x128xi32, #tpu.memory_space<vmem>>
    %dma_start3A_93 = arith.constant 0 : i32
    %dma_start3A_94 = tpu.memref_slice %arg4[%add3A_89, %dma_start3A_93] : memref<6250x128xi32, #tpu.memory_space<hbm>> -> memref<1x128xi32, #tpu.memory_space<hbm>>
    %dma_start3A_95 = arith.constant 3 : i32
    %dma_start3A_96 = arith.constant 0 : i32
    %dma_start3A_97 = tpu.memref_slice %arg9[%dma_start3A_95, %dma_start3A_96] : memref<4x128xi32, #tpu.memory_space<vmem>> -> memref<1x128xi32, #tpu.memory_space<vmem>>
    %dma_start3A_98 = arith.constant 0 : i32
    %dma_start3A_99 = tpu.memref_slice %arg4[%add3A_89, %dma_start3A_98] : memref<6250x128xi32, #tpu.memory_space<hbm>> -> memref<1x128xi32, #tpu.memory_space<hbm>>
    tpu.enqueue_dma source(%dma_start3A_99 : memref<1x128xi32, #tpu.memory_space<hbm>>) target(%dma_start3A_97 : memref<1x128xi32, #tpu.memory_space<vmem>>) target_semaphore(%arg26 : memref<!tpu.dma_semaphore, #tpu.memory_space<semaphore_mem>>)
    %dma_wait3A = arith.constant 0 : i32
    %dma_wait3A_100 = arith.constant 0 : i32
    %dma_wait3A_101 = tpu.memref_slice %arg8[%dma_wait3A, %dma_wait3A_100] : memref<4x128xi32, #tpu.memory_space<vmem>> -> memref<1x128xi32, #tpu.memory_space<vmem>>
    %dma_wait3A_102 = arith.constant 0 : i32
    %dma_wait3A_103 = arith.constant 0 : i32
    %dma_wait3A_104 = tpu.memref_slice %arg3[%dma_wait3A_102, %dma_wait3A_103] : memref<6250x128xi32, #tpu.memory_space<hbm>> -> memref<1x128xi32, #tpu.memory_space<hbm>>
    %dma_wait3A_105 = arith.constant 0 : i32
    %dma_wait3A_106 = arith.constant 0 : i32
    %dma_wait3A_107 = tpu.memref_slice %arg8[%dma_wait3A_105, %dma_wait3A_106] : memref<4x128xi32, #tpu.memory_space<vmem>> -> memref<1x128xi32, #tpu.memory_space<vmem>>
    %dma_wait3A_108 = arith.constant 0 : i32
    %dma_wait3A_109 = arith.constant 0 : i32
    %dma_wait3A_110 = tpu.memref_slice %arg3[%dma_wait3A_108, %dma_wait3A_109] : memref<6250x128xi32, #tpu.memory_space<hbm>> -> memref<1x128xi32, #tpu.memory_space<hbm>>
    tpu.wait_dma2 semaphore(%arg19 : memref<!tpu.dma_semaphore, #tpu.memory_space<semaphore_mem>>) src(%dma_wait3A_110 : memref<1x128xi32, #tpu.memory_space<hbm>>) dst(%dma_wait3A_107 : memref<1x128xi32, #tpu.memory_space<vmem>>)
    %dma_start3A_111 = arith.constant 0 : i32
    %dma_start3A_112 = arith.constant 0 : i32
    %dma_start3A_113 = arith.constant 0 : i32
    %dma_start3A_114 = tpu.memref_slice %arg10[%dma_start3A_112, %dma_start3A_113] : memref<512x32xf32, #tpu.memory_space<vmem>> -> memref<128x32xf32, #tpu.memory_space<vmem>>
    %dma_start3A_115 = arith.constant 0 : i32
    %dma_start3A_116 = tpu.memref_slice %arg8[%dma_start3A_111, %dma_start3A_115] : memref<4x128xi32, #tpu.memory_space<vmem>> -> memref<1x128xi32, #tpu.memory_space<vmem>>
    %dma_start3A_117 = tpu.memref_squeeze %dma_start3A_116 : memref<1x128xi32, #tpu.memory_space<vmem>> -> memref<128xi32, #tpu.memory_space<vmem>>
    %dma_start3A_118 = arith.constant 0 : i32
    %dma_start3A_119 = arith.constant 0 : i32
    %dma_start3A_120 = tpu.memref_slice %arg2[%dma_start3A_118, %dma_start3A_119] : memref<50000x32xf32, #tpu.memory_space<hbm>> -> memref<50000x32xf32, #tpu.memory_space<hbm>>
    tpu.enqueue_indirect_dma source(%dma_start3A_120 : memref<50000x32xf32, #tpu.memory_space<hbm>>) target(%dma_start3A_114 : memref<128x32xf32, #tpu.memory_space<vmem>>) offsets(%dma_start3A_117 : memref<128xi32, #tpu.memory_space<vmem>>) semaphore(%arg11 : memref<!tpu.dma_semaphore, #tpu.memory_space<semaphore_mem>>)
    %dma_wait3A_121 = arith.constant 1 : i32
    %dma_wait3A_122 = arith.constant 0 : i32
    %dma_wait3A_123 = tpu.memref_slice %arg8[%dma_wait3A_121, %dma_wait3A_122] : memref<4x128xi32, #tpu.memory_space<vmem>> -> memref<1x128xi32, #tpu.memory_space<vmem>>
    %dma_wait3A_124 = arith.constant 0 : i32
    %dma_wait3A_125 = arith.constant 0 : i32
    %dma_wait3A_126 = tpu.memref_slice %arg3[%dma_wait3A_124, %dma_wait3A_125] : memref<6250x128xi32, #tpu.memory_space<hbm>> -> memref<1x128xi32, #tpu.memory_space<hbm>>
    %dma_wait3A_127 = arith.constant 1 : i32
    %dma_wait3A_128 = arith.constant 0 : i32
    %dma_wait3A_129 = tpu.memref_slice %arg8[%dma_wait3A_127, %dma_wait3A_128] : memref<4x128xi32, #tpu.memory_space<vmem>> -> memref<1x128xi32, #tpu.memory_space<vmem>>
    %dma_wait3A_130 = arith.constant 0 : i32
    %dma_wait3A_131 = arith.constant 0 : i32
    %dma_wait3A_132 = tpu.memref_slice %arg3[%dma_wait3A_130, %dma_wait3A_131] : memref<6250x128xi32, #tpu.memory_space<hbm>> -> memref<1x128xi32, #tpu.memory_space<hbm>>
    tpu.wait_dma2 semaphore(%arg20 : memref<!tpu.dma_semaphore, #tpu.memory_space<semaphore_mem>>) src(%dma_wait3A_132 : memref<1x128xi32, #tpu.memory_space<hbm>>) dst(%dma_wait3A_129 : memref<1x128xi32, #tpu.memory_space<vmem>>)
    %dma_start3A_133 = arith.constant 1 : i32
    %dma_start3A_134 = arith.constant 128 : i32
    %dma_start3A_135 = arith.constant 0 : i32
    %dma_start3A_136 = tpu.memref_slice %arg10[%dma_start3A_134, %dma_start3A_135] : memref<512x32xf32, #tpu.memory_space<vmem>> -> memref<128x32xf32, #tpu.memory_space<vmem>>
    %dma_start3A_137 = arith.constant 0 : i32
    %dma_start3A_138 = tpu.memref_slice %arg8[%dma_start3A_133, %dma_start3A_137] : memref<4x128xi32, #tpu.memory_space<vmem>> -> memref<1x128xi32, #tpu.memory_space<vmem>>
    %dma_start3A_139 = tpu.memref_squeeze %dma_start3A_138 : memref<1x128xi32, #tpu.memory_space<vmem>> -> memref<128xi32, #tpu.memory_space<vmem>>
    %dma_start3A_140 = arith.constant 0 : i32
    %dma_start3A_141 = arith.constant 0 : i32
    %dma_start3A_142 = tpu.memref_slice %arg2[%dma_start3A_140, %dma_start3A_141] : memref<50000x32xf32, #tpu.memory_space<hbm>> -> memref<50000x32xf32, #tpu.memory_space<hbm>>
    tpu.enqueue_indirect_dma source(%dma_start3A_142 : memref<50000x32xf32, #tpu.memory_space<hbm>>) target(%dma_start3A_136 : memref<128x32xf32, #tpu.memory_space<vmem>>) offsets(%dma_start3A_139 : memref<128xi32, #tpu.memory_space<vmem>>) semaphore(%arg12 : memref<!tpu.dma_semaphore, #tpu.memory_space<semaphore_mem>>)
    %dma_wait3A_143 = arith.constant 2 : i32
    %dma_wait3A_144 = arith.constant 0 : i32
    %dma_wait3A_145 = tpu.memref_slice %arg8[%dma_wait3A_143, %dma_wait3A_144] : memref<4x128xi32, #tpu.memory_space<vmem>> -> memref<1x128xi32, #tpu.memory_space<vmem>>
    %dma_wait3A_146 = arith.constant 0 : i32
    %dma_wait3A_147 = arith.constant 0 : i32
    %dma_wait3A_148 = tpu.memref_slice %arg3[%dma_wait3A_146, %dma_wait3A_147] : memref<6250x128xi32, #tpu.memory_space<hbm>> -> memref<1x128xi32, #tpu.memory_space<hbm>>
    %dma_wait3A_149 = arith.constant 2 : i32
    %dma_wait3A_150 = arith.constant 0 : i32
    %dma_wait3A_151 = tpu.memref_slice %arg8[%dma_wait3A_149, %dma_wait3A_150] : memref<4x128xi32, #tpu.memory_space<vmem>> -> memref<1x128xi32, #tpu.memory_space<vmem>>
    %dma_wait3A_152 = arith.constant 0 : i32
    %dma_wait3A_153 = arith.constant 0 : i32
    %dma_wait3A_154 = tpu.memref_slice %arg3[%dma_wait3A_152, %dma_wait3A_153] : memref<6250x128xi32, #tpu.memory_space<hbm>> -> memref<1x128xi32, #tpu.memory_space<hbm>>
    tpu.wait_dma2 semaphore(%arg21 : memref<!tpu.dma_semaphore, #tpu.memory_space<semaphore_mem>>) src(%dma_wait3A_154 : memref<1x128xi32, #tpu.memory_space<hbm>>) dst(%dma_wait3A_151 : memref<1x128xi32, #tpu.memory_space<vmem>>)
    %dma_start3A_155 = arith.constant 2 : i32
    %dma_start3A_156 = arith.constant 256 : i32
    %dma_start3A_157 = arith.constant 0 : i32
    %dma_start3A_158 = tpu.memref_slice %arg10[%dma_start3A_156, %dma_start3A_157] : memref<512x32xf32, #tpu.memory_space<vmem>> -> memref<128x32xf32, #tpu.memory_space<vmem>>
    %dma_start3A_159 = arith.constant 0 : i32
    %dma_start3A_160 = tpu.memref_slice %arg8[%dma_start3A_155, %dma_start3A_159] : memref<4x128xi32, #tpu.memory_space<vmem>> -> memref<1x128xi32, #tpu.memory_space<vmem>>
    %dma_start3A_161 = tpu.memref_squeeze %dma_start3A_160 : memref<1x128xi32, #tpu.memory_space<vmem>> -> memref<128xi32, #tpu.memory_space<vmem>>
    %dma_start3A_162 = arith.constant 0 : i32
    %dma_start3A_163 = arith.constant 0 : i32
    %dma_start3A_164 = tpu.memref_slice %arg2[%dma_start3A_162, %dma_start3A_163] : memref<50000x32xf32, #tpu.memory_space<hbm>> -> memref<50000x32xf32, #tpu.memory_space<hbm>>
    tpu.enqueue_indirect_dma source(%dma_start3A_164 : memref<50000x32xf32, #tpu.memory_space<hbm>>) target(%dma_start3A_158 : memref<128x32xf32, #tpu.memory_space<vmem>>) offsets(%dma_start3A_161 : memref<128xi32, #tpu.memory_space<vmem>>) semaphore(%arg13 : memref<!tpu.dma_semaphore, #tpu.memory_space<semaphore_mem>>)
    %dma_wait3A_165 = arith.constant 3 : i32
    %dma_wait3A_166 = arith.constant 0 : i32
    %dma_wait3A_167 = tpu.memref_slice %arg8[%dma_wait3A_165, %dma_wait3A_166] : memref<4x128xi32, #tpu.memory_space<vmem>> -> memref<1x128xi32, #tpu.memory_space<vmem>>
    %dma_wait3A_168 = arith.constant 0 : i32
    %dma_wait3A_169 = arith.constant 0 : i32
    %dma_wait3A_170 = tpu.memref_slice %arg3[%dma_wait3A_168, %dma_wait3A_169] : memref<6250x128xi32, #tpu.memory_space<hbm>> -> memref<1x128xi32, #tpu.memory_space<hbm>>
    %dma_wait3A_171 = arith.constant 3 : i32
    %dma_wait3A_172 = arith.constant 0 : i32
    %dma_wait3A_173 = tpu.memref_slice %arg8[%dma_wait3A_171, %dma_wait3A_172] : memref<4x128xi32, #tpu.memory_space<vmem>> -> memref<1x128xi32, #tpu.memory_space<vmem>>
    %dma_wait3A_174 = arith.constant 0 : i32
    %dma_wait3A_175 = arith.constant 0 : i32
    %dma_wait3A_176 = tpu.memref_slice %arg3[%dma_wait3A_174, %dma_wait3A_175] : memref<6250x128xi32, #tpu.memory_space<hbm>> -> memref<1x128xi32, #tpu.memory_space<hbm>>
    tpu.wait_dma2 semaphore(%arg22 : memref<!tpu.dma_semaphore, #tpu.memory_space<semaphore_mem>>) src(%dma_wait3A_176 : memref<1x128xi32, #tpu.memory_space<hbm>>) dst(%dma_wait3A_173 : memref<1x128xi32, #tpu.memory_space<vmem>>)
    %dma_start3A_177 = arith.constant 3 : i32
    %dma_start3A_178 = arith.constant 384 : i32
    %dma_start3A_179 = arith.constant 0 : i32
    %dma_start3A_180 = tpu.memref_slice %arg10[%dma_start3A_178, %dma_start3A_179] : memref<512x32xf32, #tpu.memory_space<vmem>> -> memref<128x32xf32, #tpu.memory_space<vmem>>
    %dma_start3A_181 = arith.constant 0 : i32
    %dma_start3A_182 = tpu.memref_slice %arg8[%dma_start3A_177, %dma_start3A_181] : memref<4x128xi32, #tpu.memory_space<vmem>> -> memref<1x128xi32, #tpu.memory_space<vmem>>
    %dma_start3A_183 = tpu.memref_squeeze %dma_start3A_182 : memref<1x128xi32, #tpu.memory_space<vmem>> -> memref<128xi32, #tpu.memory_space<vmem>>
    %dma_start3A_184 = arith.constant 0 : i32
    %dma_start3A_185 = arith.constant 0 : i32
    %dma_start3A_186 = tpu.memref_slice %arg2[%dma_start3A_184, %dma_start3A_185] : memref<50000x32xf32, #tpu.memory_space<hbm>> -> memref<50000x32xf32, #tpu.memory_space<hbm>>
    tpu.enqueue_indirect_dma source(%dma_start3A_186 : memref<50000x32xf32, #tpu.memory_space<hbm>>) target(%dma_start3A_180 : memref<128x32xf32, #tpu.memory_space<vmem>>) offsets(%dma_start3A_183 : memref<128xi32, #tpu.memory_space<vmem>>) semaphore(%arg14 : memref<!tpu.dma_semaphore, #tpu.memory_space<semaphore_mem>>)
    %scan3A = arith.constant 0 : i32
    %scan3A_187 = arith.constant 0 : i32
    %scan3A_188 = arith.constant 49 : i32
    %scan3A_189 = arith.addi %scan3A_187, %scan3A_188 : i32
    %scan3A_190 = arith.constant 1 : i32
    scf.for %scan3A_197 = %scan3A_187 to %scan3A_189 step %scan3A_190  : i32 {
      %mul3A_198 = arith.constant 4 : i32
      %mul3A_199 = arith.muli %mul3A_198, %scan3A_197 : i32
      %add3A_200 = arith.constant 0 : i32
      %add3A_201 = arith.addi %mul3A_199, %add3A_200 : i32
      %mul3A_202 = arith.constant 32 : i32
      %mul3A_203 = arith.muli %add3A_201, %mul3A_202 : i32
      %add3A_204 = arith.addi %mul3A_203, %add3A : i32
      %lt3A = arith.constant 6250 : i32
      %lt3A_205 = arith.cmpi slt, %add3A_204, %lt3A : i32
      %add3A_206 = arith.constant 4 : i32
      %add3A_207 = arith.addi %add3A_201, %add3A_206 : i32
      %mul3A_208 = arith.constant 32 : i32
      %mul3A_209 = arith.muli %add3A_207, %mul3A_208 : i32
      %add3A_210 = arith.addi %mul3A_209, %add3A : i32
      %lt3A_211 = arith.constant 6250 : i32
      %lt3A_212 = arith.cmpi slt, %add3A_210, %lt3A_211 : i32
      %convert_element_type3A = arith.extui %lt3A_205 : i1 to i32
      %cond3A = arith.constant 0 : i32
      %cond3A_213 = arith.cmpi ne, %convert_element_type3A, %cond3A : i32
      scf.if %cond3A_213 {
        %dma_wait3A_307 = arith.constant 0 : i32
        %dma_wait3A_308 = arith.constant 0 : i32
        %dma_wait3A_309 = arith.constant 0 : i32
        %dma_wait3A_310 = tpu.memref_slice %arg10[%dma_wait3A_308, %dma_wait3A_309] : memref<512x32xf32, #tpu.memory_space<vmem>> -> memref<128x32xf32, #tpu.memory_space<vmem>>
        %dma_wait3A_311 = arith.constant 0 : i32
        %dma_wait3A_312 = tpu.memref_slice %arg8[%dma_wait3A_307, %dma_wait3A_311] : memref<4x128xi32, #tpu.memory_space<vmem>> -> memref<1x128xi32, #tpu.memory_space<vmem>>
        %dma_wait3A_313 = tpu.memref_squeeze %dma_wait3A_312 : memref<1x128xi32, #tpu.memory_space<vmem>> -> memref<128xi32, #tpu.memory_space<vmem>>
        %dma_wait3A_314 = arith.constant 0 : i32
        %dma_wait3A_315 = arith.constant 0 : i32
        %dma_wait3A_316 = tpu.memref_slice %arg2[%dma_wait3A_314, %dma_wait3A_315] : memref<50000x32xf32, #tpu.memory_space<hbm>> -> memref<50000x32xf32, #tpu.memory_space<hbm>>
        tpu.wait_indirect_dma semaphore(%arg11 : memref<!tpu.dma_semaphore, #tpu.memory_space<semaphore_mem>>) src(%dma_wait3A_316 : memref<50000x32xf32, #tpu.memory_space<hbm>>) dst(%dma_wait3A_310 : memref<128x32xf32, #tpu.memory_space<vmem>>)
      } else {
      }
      %convert_element_type3A_214 = arith.extui %lt3A_212 : i1 to i32
      %cond3A_215 = arith.constant 0 : i32
      %cond3A_216 = arith.cmpi ne, %convert_element_type3A_214, %cond3A_215 : i32
      scf.if %cond3A_216 {
        %add3A_307 = arith.constant 4 : i32
        %add3A_308 = arith.addi %add3A_201, %add3A_307 : i32
        %mul3A_309 = arith.constant 32 : i32
        %mul3A_310 = arith.muli %add3A_308, %mul3A_309 : i32
        %add3A_311 = arith.addi %mul3A_310, %add3A : i32
        %dma_start3A_312 = arith.constant 0 : i32
        %dma_start3A_313 = arith.constant 0 : i32
        %dma_start3A_314 = tpu.memref_slice %arg8[%dma_start3A_312, %dma_start3A_313] : memref<4x128xi32, #tpu.memory_space<vmem>> -> memref<1x128xi32, #tpu.memory_space<vmem>>
        %dma_start3A_315 = arith.constant 0 : i32
        %dma_start3A_316 = tpu.memref_slice %arg3[%add3A_311, %dma_start3A_315] : memref<6250x128xi32, #tpu.memory_space<hbm>> -> memref<1x128xi32, #tpu.memory_space<hbm>>
        %dma_start3A_317 = arith.constant 0 : i32
        %dma_start3A_318 = arith.constant 0 : i32
        %dma_start3A_319 = tpu.memref_slice %arg8[%dma_start3A_317, %dma_start3A_318] : memref<4x128xi32, #tpu.memory_space<vmem>> -> memref<1x128xi32, #tpu.memory_space<vmem>>
        %dma_start3A_320 = arith.constant 0 : i32
        %dma_start3A_321 = tpu.memref_slice %arg3[%add3A_311, %dma_start3A_320] : memref<6250x128xi32, #tpu.memory_space<hbm>> -> memref<1x128xi32, #tpu.memory_space<hbm>>
        tpu.enqueue_dma source(%dma_start3A_321 : memref<1x128xi32, #tpu.memory_space<hbm>>) target(%dma_start3A_319 : memref<1x128xi32, #tpu.memory_space<vmem>>) target_semaphore(%arg19 : memref<!tpu.dma_semaphore, #tpu.memory_space<semaphore_mem>>)
      } else {
      }
      %convert_element_type3A_217 = arith.extui %lt3A_205 : i1 to i32
      %cond3A_218 = arith.constant 0 : i32
      %cond3A_219 = arith.cmpi ne, %convert_element_type3A_217, %cond3A_218 : i32
      scf.if %cond3A_219 {
        %dma_wait3A_307 = arith.constant 0 : i32
        %dma_wait3A_308 = arith.constant 0 : i32
        %dma_wait3A_309 = tpu.memref_slice %arg9[%dma_wait3A_307, %dma_wait3A_308] : memref<4x128xi32, #tpu.memory_space<vmem>> -> memref<1x128xi32, #tpu.memory_space<vmem>>
        %dma_wait3A_310 = arith.constant 0 : i32
        %dma_wait3A_311 = arith.constant 0 : i32
        %dma_wait3A_312 = tpu.memref_slice %arg4[%dma_wait3A_310, %dma_wait3A_311] : memref<6250x128xi32, #tpu.memory_space<hbm>> -> memref<1x128xi32, #tpu.memory_space<hbm>>
        %dma_wait3A_313 = arith.constant 0 : i32
        %dma_wait3A_314 = arith.constant 0 : i32
        %dma_wait3A_315 = tpu.memref_slice %arg9[%dma_wait3A_313, %dma_wait3A_314] : memref<4x128xi32, #tpu.memory_space<vmem>> -> memref<1x128xi32, #tpu.memory_space<vmem>>
        %dma_wait3A_316 = arith.constant 0 : i32
        %dma_wait3A_317 = arith.constant 0 : i32
        %dma_wait3A_318 = tpu.memref_slice %arg4[%dma_wait3A_316, %dma_wait3A_317] : memref<6250x128xi32, #tpu.memory_space<hbm>> -> memref<1x128xi32, #tpu.memory_space<hbm>>
        tpu.wait_dma2 semaphore(%arg23 : memref<!tpu.dma_semaphore, #tpu.memory_space<semaphore_mem>>) src(%dma_wait3A_318 : memref<1x128xi32, #tpu.memory_space<hbm>>) dst(%dma_wait3A_315 : memref<1x128xi32, #tpu.memory_space<vmem>>)
        %dma_start3A_319 = arith.constant 0 : i32
        %dma_start3A_320 = arith.constant 0 : i32
        %dma_start3A_321 = arith.constant 0 : i32
        %dma_start3A_322 = tpu.memref_slice %arg10[%dma_start3A_320, %dma_start3A_321] : memref<512x32xf32, #tpu.memory_space<vmem>> -> memref<128x32xf32, #tpu.memory_space<vmem>>
        %dma_start3A_323 = arith.constant 0 : i32
        %dma_start3A_324 = tpu.memref_slice %arg9[%dma_start3A_319, %dma_start3A_323] : memref<4x128xi32, #tpu.memory_space<vmem>> -> memref<1x128xi32, #tpu.memory_space<vmem>>
        %dma_start3A_325 = tpu.memref_squeeze %dma_start3A_324 : memref<1x128xi32, #tpu.memory_space<vmem>> -> memref<128xi32, #tpu.memory_space<vmem>>
        %dma_start3A_326 = arith.constant 0 : i32
        %dma_start3A_327 = arith.constant 0 : i32
        %dma_start3A_328 = tpu.memref_slice %arg7[%dma_start3A_326, %dma_start3A_327] : memref<50000x32xf32, #tpu.memory_space<vmem_shared>> -> memref<50000x32xf32, #tpu.memory_space<vmem_shared>>
        tpu.enqueue_indirect_dma source(%dma_start3A_322 : memref<128x32xf32, #tpu.memory_space<vmem>>) target(%dma_start3A_328 : memref<50000x32xf32, #tpu.memory_space<vmem_shared>>) offsets(%dma_start3A_325 : memref<128xi32, #tpu.memory_space<vmem>>) semaphore(%arg15 : memref<!tpu.dma_semaphore, #tpu.memory_space<semaphore_mem>>) {add = true}
        %dma_wait3A_329 = arith.constant 0 : i32
        %dma_wait3A_330 = arith.constant 0 : i32
        %dma_wait3A_331 = arith.constant 0 : i32
        %dma_wait3A_332 = tpu.memref_slice %arg10[%dma_wait3A_330, %dma_wait3A_331] : memref<512x32xf32, #tpu.memory_space<vmem>> -> memref<128x32xf32, #tpu.memory_space<vmem>>
        %dma_wait3A_333 = arith.constant 0 : i32
        %dma_wait3A_334 = tpu.memref_slice %arg9[%dma_wait3A_329, %dma_wait3A_333] : memref<4x128xi32, #tpu.memory_space<vmem>> -> memref<1x128xi32, #tpu.memory_space<vmem>>
        %dma_wait3A_335 = tpu.memref_squeeze %dma_wait3A_334 : memref<1x128xi32, #tpu.memory_space<vmem>> -> memref<128xi32, #tpu.memory_space<vmem>>
        %dma_wait3A_336 = arith.constant 0 : i32
        %dma_wait3A_337 = arith.constant 0 : i32
        %dma_wait3A_338 = tpu.memref_slice %arg7[%dma_wait3A_336, %dma_wait3A_337] : memref<50000x32xf32, #tpu.memory_space<vmem_shared>> -> memref<50000x32xf32, #tpu.memory_space<vmem_shared>>
        tpu.wait_indirect_dma semaphore(%arg15 : memref<!tpu.dma_semaphore, #tpu.memory_space<semaphore_mem>>) src(%dma_wait3A_332 : memref<128x32xf32, #tpu.memory_space<vmem>>) dst(%dma_wait3A_338 : memref<50000x32xf32, #tpu.memory_space<vmem_shared>>)
      } else {
      }
      %convert_element_type3A_220 = arith.extui %lt3A_212 : i1 to i32
      %cond3A_221 = arith.constant 0 : i32
      %cond3A_222 = arith.cmpi ne, %convert_element_type3A_220, %cond3A_221 : i32
      scf.if %cond3A_222 {
        %add3A_307 = arith.constant 4 : i32
        %add3A_308 = arith.addi %add3A_201, %add3A_307 : i32
        %mul3A_309 = arith.constant 32 : i32
        %mul3A_310 = arith.muli %add3A_308, %mul3A_309 : i32
        %add3A_311 = arith.addi %mul3A_310, %add3A : i32
        %dma_start3A_312 = arith.constant 0 : i32
        %dma_start3A_313 = arith.constant 0 : i32
        %dma_start3A_314 = tpu.memref_slice %arg9[%dma_start3A_312, %dma_start3A_313] : memref<4x128xi32, #tpu.memory_space<vmem>> -> memref<1x128xi32, #tpu.memory_space<vmem>>
        %dma_start3A_315 = arith.constant 0 : i32
        %dma_start3A_316 = tpu.memref_slice %arg4[%add3A_311, %dma_start3A_315] : memref<6250x128xi32, #tpu.memory_space<hbm>> -> memref<1x128xi32, #tpu.memory_space<hbm>>
        %dma_start3A_317 = arith.constant 0 : i32
        %dma_start3A_318 = arith.constant 0 : i32
        %dma_start3A_319 = tpu.memref_slice %arg9[%dma_start3A_317, %dma_start3A_318] : memref<4x128xi32, #tpu.memory_space<vmem>> -> memref<1x128xi32, #tpu.memory_space<vmem>>
        %dma_start3A_320 = arith.constant 0 : i32
        %dma_start3A_321 = tpu.memref_slice %arg4[%add3A_311, %dma_start3A_320] : memref<6250x128xi32, #tpu.memory_space<hbm>> -> memref<1x128xi32, #tpu.memory_space<hbm>>
        tpu.enqueue_dma source(%dma_start3A_321 : memref<1x128xi32, #tpu.memory_space<hbm>>) target(%dma_start3A_319 : memref<1x128xi32, #tpu.memory_space<vmem>>) target_semaphore(%arg23 : memref<!tpu.dma_semaphore, #tpu.memory_space<semaphore_mem>>)
        %dma_wait3A_322 = arith.constant 0 : i32
        %dma_wait3A_323 = arith.constant 0 : i32
        %dma_wait3A_324 = tpu.memref_slice %arg8[%dma_wait3A_322, %dma_wait3A_323] : memref<4x128xi32, #tpu.memory_space<vmem>> -> memref<1x128xi32, #tpu.memory_space<vmem>>
        %dma_wait3A_325 = arith.constant 0 : i32
        %dma_wait3A_326 = arith.constant 0 : i32
        %dma_wait3A_327 = tpu.memref_slice %arg3[%dma_wait3A_325, %dma_wait3A_326] : memref<6250x128xi32, #tpu.memory_space<hbm>> -> memref<1x128xi32, #tpu.memory_space<hbm>>
        %dma_wait3A_328 = arith.constant 0 : i32
        %dma_wait3A_329 = arith.constant 0 : i32
        %dma_wait3A_330 = tpu.memref_slice %arg8[%dma_wait3A_328, %dma_wait3A_329] : memref<4x128xi32, #tpu.memory_space<vmem>> -> memref<1x128xi32, #tpu.memory_space<vmem>>
        %dma_wait3A_331 = arith.constant 0 : i32
        %dma_wait3A_332 = arith.constant 0 : i32
        %dma_wait3A_333 = tpu.memref_slice %arg3[%dma_wait3A_331, %dma_wait3A_332] : memref<6250x128xi32, #tpu.memory_space<hbm>> -> memref<1x128xi32, #tpu.memory_space<hbm>>
        tpu.wait_dma2 semaphore(%arg19 : memref<!tpu.dma_semaphore, #tpu.memory_space<semaphore_mem>>) src(%dma_wait3A_333 : memref<1x128xi32, #tpu.memory_space<hbm>>) dst(%dma_wait3A_330 : memref<1x128xi32, #tpu.memory_space<vmem>>)
        %dma_start3A_334 = arith.constant 0 : i32
        %dma_start3A_335 = arith.constant 0 : i32
        %dma_start3A_336 = arith.constant 0 : i32
        %dma_start3A_337 = tpu.memref_slice %arg10[%dma_start3A_335, %dma_start3A_336] : memref<512x32xf32, #tpu.memory_space<vmem>> -> memref<128x32xf32, #tpu.memory_space<vmem>>
        %dma_start3A_338 = arith.constant 0 : i32
        %dma_start3A_339 = tpu.memref_slice %arg8[%dma_start3A_334, %dma_start3A_338] : memref<4x128xi32, #tpu.memory_space<vmem>> -> memref<1x128xi32, #tpu.memory_space<vmem>>
        %dma_start3A_340 = tpu.memref_squeeze %dma_start3A_339 : memref<1x128xi32, #tpu.memory_space<vmem>> -> memref<128xi32, #tpu.memory_space<vmem>>
        %dma_start3A_341 = arith.constant 0 : i32
        %dma_start3A_342 = arith.constant 0 : i32
        %dma_start3A_343 = tpu.memref_slice %arg2[%dma_start3A_341, %dma_start3A_342] : memref<50000x32xf32, #tpu.memory_space<hbm>> -> memref<50000x32xf32, #tpu.memory_space<hbm>>
        tpu.enqueue_indirect_dma source(%dma_start3A_343 : memref<50000x32xf32, #tpu.memory_space<hbm>>) target(%dma_start3A_337 : memref<128x32xf32, #tpu.memory_space<vmem>>) offsets(%dma_start3A_340 : memref<128xi32, #tpu.memory_space<vmem>>) semaphore(%arg11 : memref<!tpu.dma_semaphore, #tpu.memory_space<semaphore_mem>>)
      } else {
      }
      %mul3A_223 = arith.constant 4 : i32
      %mul3A_224 = arith.muli %mul3A_223, %scan3A_197 : i32
      %add3A_225 = arith.constant 1 : i32
      %add3A_226 = arith.addi %mul3A_224, %add3A_225 : i32
      %mul3A_227 = arith.constant 32 : i32
      %mul3A_228 = arith.muli %add3A_226, %mul3A_227 : i32
      %add3A_229 = arith.addi %mul3A_228, %add3A : i32
      %lt3A_230 = arith.constant 6250 : i32
      %lt3A_231 = arith.cmpi slt, %add3A_229, %lt3A_230 : i32
      %add3A_232 = arith.constant 4 : i32
      %add3A_233 = arith.addi %add3A_226, %add3A_232 : i32
      %mul3A_234 = arith.constant 32 : i32
      %mul3A_235 = arith.muli %add3A_233, %mul3A_234 : i32
      %add3A_236 = arith.addi %mul3A_235, %add3A : i32
      %lt3A_237 = arith.constant 6250 : i32
      %lt3A_238 = arith.cmpi slt, %add3A_236, %lt3A_237 : i32
      %convert_element_type3A_239 = arith.extui %lt3A_231 : i1 to i32
      %cond3A_240 = arith.constant 0 : i32
      %cond3A_241 = arith.cmpi ne, %convert_element_type3A_239, %cond3A_240 : i32
      scf.if %cond3A_241 {
        %dma_wait3A_307 = arith.constant 1 : i32
        %dma_wait3A_308 = arith.constant 128 : i32
        %dma_wait3A_309 = arith.constant 0 : i32
        %dma_wait3A_310 = tpu.memref_slice %arg10[%dma_wait3A_308, %dma_wait3A_309] : memref<512x32xf32, #tpu.memory_space<vmem>> -> memref<128x32xf32, #tpu.memory_space<vmem>>
        %dma_wait3A_311 = arith.constant 0 : i32
        %dma_wait3A_312 = tpu.memref_slice %arg8[%dma_wait3A_307, %dma_wait3A_311] : memref<4x128xi32, #tpu.memory_space<vmem>> -> memref<1x128xi32, #tpu.memory_space<vmem>>
        %dma_wait3A_313 = tpu.memref_squeeze %dma_wait3A_312 : memref<1x128xi32, #tpu.memory_space<vmem>> -> memref<128xi32, #tpu.memory_space<vmem>>
        %dma_wait3A_314 = arith.constant 0 : i32
        %dma_wait3A_315 = arith.constant 0 : i32
        %dma_wait3A_316 = tpu.memref_slice %arg2[%dma_wait3A_314, %dma_wait3A_315] : memref<50000x32xf32, #tpu.memory_space<hbm>> -> memref<50000x32xf32, #tpu.memory_space<hbm>>
        tpu.wait_indirect_dma semaphore(%arg12 : memref<!tpu.dma_semaphore, #tpu.memory_space<semaphore_mem>>) src(%dma_wait3A_316 : memref<50000x32xf32, #tpu.memory_space<hbm>>) dst(%dma_wait3A_310 : memref<128x32xf32, #tpu.memory_space<vmem>>)
      } else {
      }
      %convert_element_type3A_242 = arith.extui %lt3A_238 : i1 to i32
      %cond3A_243 = arith.constant 0 : i32
      %cond3A_244 = arith.cmpi ne, %convert_element_type3A_242, %cond3A_243 : i32
      scf.if %cond3A_244 {
        %add3A_307 = arith.constant 4 : i32
        %add3A_308 = arith.addi %add3A_226, %add3A_307 : i32
        %mul3A_309 = arith.constant 32 : i32
        %mul3A_310 = arith.muli %add3A_308, %mul3A_309 : i32
        %add3A_311 = arith.addi %mul3A_310, %add3A : i32
        %dma_start3A_312 = arith.constant 1 : i32
        %dma_start3A_313 = arith.constant 0 : i32
        %dma_start3A_314 = tpu.memref_slice %arg8[%dma_start3A_312, %dma_start3A_313] : memref<4x128xi32, #tpu.memory_space<vmem>> -> memref<1x128xi32, #tpu.memory_space<vmem>>
        %dma_start3A_315 = arith.constant 0 : i32
        %dma_start3A_316 = tpu.memref_slice %arg3[%add3A_311, %dma_start3A_315] : memref<6250x128xi32, #tpu.memory_space<hbm>> -> memref<1x128xi32, #tpu.memory_space<hbm>>
        %dma_start3A_317 = arith.constant 1 : i32
        %dma_start3A_318 = arith.constant 0 : i32
        %dma_start3A_319 = tpu.memref_slice %arg8[%dma_start3A_317, %dma_start3A_318] : memref<4x128xi32, #tpu.memory_space<vmem>> -> memref<1x128xi32, #tpu.memory_space<vmem>>
        %dma_start3A_320 = arith.constant 0 : i32
        %dma_start3A_321 = tpu.memref_slice %arg3[%add3A_311, %dma_start3A_320] : memref<6250x128xi32, #tpu.memory_space<hbm>> -> memref<1x128xi32, #tpu.memory_space<hbm>>
        tpu.enqueue_dma source(%dma_start3A_321 : memref<1x128xi32, #tpu.memory_space<hbm>>) target(%dma_start3A_319 : memref<1x128xi32, #tpu.memory_space<vmem>>) target_semaphore(%arg20 : memref<!tpu.dma_semaphore, #tpu.memory_space<semaphore_mem>>)
      } else {
      }
      %convert_element_type3A_245 = arith.extui %lt3A_231 : i1 to i32
      %cond3A_246 = arith.constant 0 : i32
      %cond3A_247 = arith.cmpi ne, %convert_element_type3A_245, %cond3A_246 : i32
      scf.if %cond3A_247 {
        %dma_wait3A_307 = arith.constant 1 : i32
        %dma_wait3A_308 = arith.constant 0 : i32
        %dma_wait3A_309 = tpu.memref_slice %arg9[%dma_wait3A_307, %dma_wait3A_308] : memref<4x128xi32, #tpu.memory_space<vmem>> -> memref<1x128xi32, #tpu.memory_space<vmem>>
        %dma_wait3A_310 = arith.constant 0 : i32
        %dma_wait3A_311 = arith.constant 0 : i32
        %dma_wait3A_312 = tpu.memref_slice %arg4[%dma_wait3A_310, %dma_wait3A_311] : memref<6250x128xi32, #tpu.memory_space<hbm>> -> memref<1x128xi32, #tpu.memory_space<hbm>>
        %dma_wait3A_313 = arith.constant 1 : i32
        %dma_wait3A_314 = arith.constant 0 : i32
        %dma_wait3A_315 = tpu.memref_slice %arg9[%dma_wait3A_313, %dma_wait3A_314] : memref<4x128xi32, #tpu.memory_space<vmem>> -> memref<1x128xi32, #tpu.memory_space<vmem>>
        %dma_wait3A_316 = arith.constant 0 : i32
        %dma_wait3A_317 = arith.constant 0 : i32
        %dma_wait3A_318 = tpu.memref_slice %arg4[%dma_wait3A_316, %dma_wait3A_317] : memref<6250x128xi32, #tpu.memory_space<hbm>> -> memref<1x128xi32, #tpu.memory_space<hbm>>
        tpu.wait_dma2 semaphore(%arg24 : memref<!tpu.dma_semaphore, #tpu.memory_space<semaphore_mem>>) src(%dma_wait3A_318 : memref<1x128xi32, #tpu.memory_space<hbm>>) dst(%dma_wait3A_315 : memref<1x128xi32, #tpu.memory_space<vmem>>)
        %dma_start3A_319 = arith.constant 1 : i32
        %dma_start3A_320 = arith.constant 128 : i32
        %dma_start3A_321 = arith.constant 0 : i32
        %dma_start3A_322 = tpu.memref_slice %arg10[%dma_start3A_320, %dma_start3A_321] : memref<512x32xf32, #tpu.memory_space<vmem>> -> memref<128x32xf32, #tpu.memory_space<vmem>>
        %dma_start3A_323 = arith.constant 0 : i32
        %dma_start3A_324 = tpu.memref_slice %arg9[%dma_start3A_319, %dma_start3A_323] : memref<4x128xi32, #tpu.memory_space<vmem>> -> memref<1x128xi32, #tpu.memory_space<vmem>>
        %dma_start3A_325 = tpu.memref_squeeze %dma_start3A_324 : memref<1x128xi32, #tpu.memory_space<vmem>> -> memref<128xi32, #tpu.memory_space<vmem>>
        %dma_start3A_326 = arith.constant 0 : i32
        %dma_start3A_327 = arith.constant 0 : i32
        %dma_start3A_328 = tpu.memref_slice %arg7[%dma_start3A_326, %dma_start3A_327] : memref<50000x32xf32, #tpu.memory_space<vmem_shared>> -> memref<50000x32xf32, #tpu.memory_space<vmem_shared>>
        tpu.enqueue_indirect_dma source(%dma_start3A_322 : memref<128x32xf32, #tpu.memory_space<vmem>>) target(%dma_start3A_328 : memref<50000x32xf32, #tpu.memory_space<vmem_shared>>) offsets(%dma_start3A_325 : memref<128xi32, #tpu.memory_space<vmem>>) semaphore(%arg16 : memref<!tpu.dma_semaphore, #tpu.memory_space<semaphore_mem>>) {add = true}
        %dma_wait3A_329 = arith.constant 1 : i32
        %dma_wait3A_330 = arith.constant 128 : i32
        %dma_wait3A_331 = arith.constant 0 : i32
        %dma_wait3A_332 = tpu.memref_slice %arg10[%dma_wait3A_330, %dma_wait3A_331] : memref<512x32xf32, #tpu.memory_space<vmem>> -> memref<128x32xf32, #tpu.memory_space<vmem>>
        %dma_wait3A_333 = arith.constant 0 : i32
        %dma_wait3A_334 = tpu.memref_slice %arg9[%dma_wait3A_329, %dma_wait3A_333] : memref<4x128xi32, #tpu.memory_space<vmem>> -> memref<1x128xi32, #tpu.memory_space<vmem>>
        %dma_wait3A_335 = tpu.memref_squeeze %dma_wait3A_334 : memref<1x128xi32, #tpu.memory_space<vmem>> -> memref<128xi32, #tpu.memory_space<vmem>>
        %dma_wait3A_336 = arith.constant 0 : i32
        %dma_wait3A_337 = arith.constant 0 : i32
        %dma_wait3A_338 = tpu.memref_slice %arg7[%dma_wait3A_336, %dma_wait3A_337] : memref<50000x32xf32, #tpu.memory_space<vmem_shared>> -> memref<50000x32xf32, #tpu.memory_space<vmem_shared>>
        tpu.wait_indirect_dma semaphore(%arg16 : memref<!tpu.dma_semaphore, #tpu.memory_space<semaphore_mem>>) src(%dma_wait3A_332 : memref<128x32xf32, #tpu.memory_space<vmem>>) dst(%dma_wait3A_338 : memref<50000x32xf32, #tpu.memory_space<vmem_shared>>)
      } else {
      }
      %convert_element_type3A_248 = arith.extui %lt3A_238 : i1 to i32
      %cond3A_249 = arith.constant 0 : i32
      %cond3A_250 = arith.cmpi ne, %convert_element_type3A_248, %cond3A_249 : i32
      scf.if %cond3A_250 {
        %add3A_307 = arith.constant 4 : i32
        %add3A_308 = arith.addi %add3A_226, %add3A_307 : i32
        %mul3A_309 = arith.constant 32 : i32
        %mul3A_310 = arith.muli %add3A_308, %mul3A_309 : i32
        %add3A_311 = arith.addi %mul3A_310, %add3A : i32
        %dma_start3A_312 = arith.constant 1 : i32
        %dma_start3A_313 = arith.constant 0 : i32
        %dma_start3A_314 = tpu.memref_slice %arg9[%dma_start3A_312, %dma_start3A_313] : memref<4x128xi32, #tpu.memory_space<vmem>> -> memref<1x128xi32, #tpu.memory_space<vmem>>
        %dma_start3A_315 = arith.constant 0 : i32
        %dma_start3A_316 = tpu.memref_slice %arg4[%add3A_311, %dma_start3A_315] : memref<6250x128xi32, #tpu.memory_space<hbm>> -> memref<1x128xi32, #tpu.memory_space<hbm>>
        %dma_start3A_317 = arith.constant 1 : i32
        %dma_start3A_318 = arith.constant 0 : i32
        %dma_start3A_319 = tpu.memref_slice %arg9[%dma_start3A_317, %dma_start3A_318] : memref<4x128xi32, #tpu.memory_space<vmem>> -> memref<1x128xi32, #tpu.memory_space<vmem>>
        %dma_start3A_320 = arith.constant 0 : i32
        %dma_start3A_321 = tpu.memref_slice %arg4[%add3A_311, %dma_start3A_320] : memref<6250x128xi32, #tpu.memory_space<hbm>> -> memref<1x128xi32, #tpu.memory_space<hbm>>
        tpu.enqueue_dma source(%dma_start3A_321 : memref<1x128xi32, #tpu.memory_space<hbm>>) target(%dma_start3A_319 : memref<1x128xi32, #tpu.memory_space<vmem>>) target_semaphore(%arg24 : memref<!tpu.dma_semaphore, #tpu.memory_space<semaphore_mem>>)
        %dma_wait3A_322 = arith.constant 1 : i32
        %dma_wait3A_323 = arith.constant 0 : i32
        %dma_wait3A_324 = tpu.memref_slice %arg8[%dma_wait3A_322, %dma_wait3A_323] : memref<4x128xi32, #tpu.memory_space<vmem>> -> memref<1x128xi32, #tpu.memory_space<vmem>>
        %dma_wait3A_325 = arith.constant 0 : i32
        %dma_wait3A_326 = arith.constant 0 : i32
        %dma_wait3A_327 = tpu.memref_slice %arg3[%dma_wait3A_325, %dma_wait3A_326] : memref<6250x128xi32, #tpu.memory_space<hbm>> -> memref<1x128xi32, #tpu.memory_space<hbm>>
        %dma_wait3A_328 = arith.constant 1 : i32
        %dma_wait3A_329 = arith.constant 0 : i32
        %dma_wait3A_330 = tpu.memref_slice %arg8[%dma_wait3A_328, %dma_wait3A_329] : memref<4x128xi32, #tpu.memory_space<vmem>> -> memref<1x128xi32, #tpu.memory_space<vmem>>
        %dma_wait3A_331 = arith.constant 0 : i32
        %dma_wait3A_332 = arith.constant 0 : i32
        %dma_wait3A_333 = tpu.memref_slice %arg3[%dma_wait3A_331, %dma_wait3A_332] : memref<6250x128xi32, #tpu.memory_space<hbm>> -> memref<1x128xi32, #tpu.memory_space<hbm>>
        tpu.wait_dma2 semaphore(%arg20 : memref<!tpu.dma_semaphore, #tpu.memory_space<semaphore_mem>>) src(%dma_wait3A_333 : memref<1x128xi32, #tpu.memory_space<hbm>>) dst(%dma_wait3A_330 : memref<1x128xi32, #tpu.memory_space<vmem>>)
        %dma_start3A_334 = arith.constant 1 : i32
        %dma_start3A_335 = arith.constant 128 : i32
        %dma_start3A_336 = arith.constant 0 : i32
        %dma_start3A_337 = tpu.memref_slice %arg10[%dma_start3A_335, %dma_start3A_336] : memref<512x32xf32, #tpu.memory_space<vmem>> -> memref<128x32xf32, #tpu.memory_space<vmem>>
        %dma_start3A_338 = arith.constant 0 : i32
        %dma_start3A_339 = tpu.memref_slice %arg8[%dma_start3A_334, %dma_start3A_338] : memref<4x128xi32, #tpu.memory_space<vmem>> -> memref<1x128xi32, #tpu.memory_space<vmem>>
        %dma_start3A_340 = tpu.memref_squeeze %dma_start3A_339 : memref<1x128xi32, #tpu.memory_space<vmem>> -> memref<128xi32, #tpu.memory_space<vmem>>
        %dma_start3A_341 = arith.constant 0 : i32
        %dma_start3A_342 = arith.constant 0 : i32
        %dma_start3A_343 = tpu.memref_slice %arg2[%dma_start3A_341, %dma_start3A_342] : memref<50000x32xf32, #tpu.memory_space<hbm>> -> memref<50000x32xf32, #tpu.memory_space<hbm>>
        tpu.enqueue_indirect_dma source(%dma_start3A_343 : memref<50000x32xf32, #tpu.memory_space<hbm>>) target(%dma_start3A_337 : memref<128x32xf32, #tpu.memory_space<vmem>>) offsets(%dma_start3A_340 : memref<128xi32, #tpu.memory_space<vmem>>) semaphore(%arg12 : memref<!tpu.dma_semaphore, #tpu.memory_space<semaphore_mem>>)
      } else {
      }
      %mul3A_251 = arith.constant 4 : i32
      %mul3A_252 = arith.muli %mul3A_251, %scan3A_197 : i32
      %add3A_253 = arith.constant 2 : i32
      %add3A_254 = arith.addi %mul3A_252, %add3A_253 : i32
      %mul3A_255 = arith.constant 32 : i32
      %mul3A_256 = arith.muli %add3A_254, %mul3A_255 : i32
      %add3A_257 = arith.addi %mul3A_256, %add3A : i32
      %lt3A_258 = arith.constant 6250 : i32
      %lt3A_259 = arith.cmpi slt, %add3A_257, %lt3A_258 : i32
      %add3A_260 = arith.constant 4 : i32
      %add3A_261 = arith.addi %add3A_254, %add3A_260 : i32
      %mul3A_262 = arith.constant 32 : i32
      %mul3A_263 = arith.muli %add3A_261, %mul3A_262 : i32
      %add3A_264 = arith.addi %mul3A_263, %add3A : i32
      %lt3A_265 = arith.constant 6250 : i32
      %lt3A_266 = arith.cmpi slt, %add3A_264, %lt3A_265 : i32
      %convert_element_type3A_267 = arith.extui %lt3A_259 : i1 to i32
      %cond3A_268 = arith.constant 0 : i32
      %cond3A_269 = arith.cmpi ne, %convert_element_type3A_267, %cond3A_268 : i32
      scf.if %cond3A_269 {
        %dma_wait3A_307 = arith.constant 2 : i32
        %dma_wait3A_308 = arith.constant 256 : i32
        %dma_wait3A_309 = arith.constant 0 : i32
        %dma_wait3A_310 = tpu.memref_slice %arg10[%dma_wait3A_308, %dma_wait3A_309] : memref<512x32xf32, #tpu.memory_space<vmem>> -> memref<128x32xf32, #tpu.memory_space<vmem>>
        %dma_wait3A_311 = arith.constant 0 : i32
        %dma_wait3A_312 = tpu.memref_slice %arg8[%dma_wait3A_307, %dma_wait3A_311] : memref<4x128xi32, #tpu.memory_space<vmem>> -> memref<1x128xi32, #tpu.memory_space<vmem>>
        %dma_wait3A_313 = tpu.memref_squeeze %dma_wait3A_312 : memref<1x128xi32, #tpu.memory_space<vmem>> -> memref<128xi32, #tpu.memory_space<vmem>>
        %dma_wait3A_314 = arith.constant 0 : i32
        %dma_wait3A_315 = arith.constant 0 : i32
        %dma_wait3A_316 = tpu.memref_slice %arg2[%dma_wait3A_314, %dma_wait3A_315] : memref<50000x32xf32, #tpu.memory_space<hbm>> -> memref<50000x32xf32, #tpu.memory_space<hbm>>
        tpu.wait_indirect_dma semaphore(%arg13 : memref<!tpu.dma_semaphore, #tpu.memory_space<semaphore_mem>>) src(%dma_wait3A_316 : memref<50000x32xf32, #tpu.memory_space<hbm>>) dst(%dma_wait3A_310 : memref<128x32xf32, #tpu.memory_space<vmem>>)
      } else {
      }
      %convert_element_type3A_270 = arith.extui %lt3A_266 : i1 to i32
      %cond3A_271 = arith.constant 0 : i32
      %cond3A_272 = arith.cmpi ne, %convert_element_type3A_270, %cond3A_271 : i32
      scf.if %cond3A_272 {
        %add3A_307 = arith.constant 4 : i32
        %add3A_308 = arith.addi %add3A_254, %add3A_307 : i32
        %mul3A_309 = arith.constant 32 : i32
        %mul3A_310 = arith.muli %add3A_308, %mul3A_309 : i32
        %add3A_311 = arith.addi %mul3A_310, %add3A : i32
        %dma_start3A_312 = arith.constant 2 : i32
        %dma_start3A_313 = arith.constant 0 : i32
        %dma_start3A_314 = tpu.memref_slice %arg8[%dma_start3A_312, %dma_start3A_313] : memref<4x128xi32, #tpu.memory_space<vmem>> -> memref<1x128xi32, #tpu.memory_space<vmem>>
        %dma_start3A_315 = arith.constant 0 : i32
        %dma_start3A_316 = tpu.memref_slice %arg3[%add3A_311, %dma_start3A_315] : memref<6250x128xi32, #tpu.memory_space<hbm>> -> memref<1x128xi32, #tpu.memory_space<hbm>>
        %dma_start3A_317 = arith.constant 2 : i32
        %dma_start3A_318 = arith.constant 0 : i32
        %dma_start3A_319 = tpu.memref_slice %arg8[%dma_start3A_317, %dma_start3A_318] : memref<4x128xi32, #tpu.memory_space<vmem>> -> memref<1x128xi32, #tpu.memory_space<vmem>>
        %dma_start3A_320 = arith.constant 0 : i32
        %dma_start3A_321 = tpu.memref_slice %arg3[%add3A_311, %dma_start3A_320] : memref<6250x128xi32, #tpu.memory_space<hbm>> -> memref<1x128xi32, #tpu.memory_space<hbm>>
        tpu.enqueue_dma source(%dma_start3A_321 : memref<1x128xi32, #tpu.memory_space<hbm>>) target(%dma_start3A_319 : memref<1x128xi32, #tpu.memory_space<vmem>>) target_semaphore(%arg21 : memref<!tpu.dma_semaphore, #tpu.memory_space<semaphore_mem>>)
      } else {
      }
      %convert_element_type3A_273 = arith.extui %lt3A_259 : i1 to i32
      %cond3A_274 = arith.constant 0 : i32
      %cond3A_275 = arith.cmpi ne, %convert_element_type3A_273, %cond3A_274 : i32
      scf.if %cond3A_275 {
        %dma_wait3A_307 = arith.constant 2 : i32
        %dma_wait3A_308 = arith.constant 0 : i32
        %dma_wait3A_309 = tpu.memref_slice %arg9[%dma_wait3A_307, %dma_wait3A_308] : memref<4x128xi32, #tpu.memory_space<vmem>> -> memref<1x128xi32, #tpu.memory_space<vmem>>
        %dma_wait3A_310 = arith.constant 0 : i32
        %dma_wait3A_311 = arith.constant 0 : i32
        %dma_wait3A_312 = tpu.memref_slice %arg4[%dma_wait3A_310, %dma_wait3A_311] : memref<6250x128xi32, #tpu.memory_space<hbm>> -> memref<1x128xi32, #tpu.memory_space<hbm>>
        %dma_wait3A_313 = arith.constant 2 : i32
        %dma_wait3A_314 = arith.constant 0 : i32
        %dma_wait3A_315 = tpu.memref_slice %arg9[%dma_wait3A_313, %dma_wait3A_314] : memref<4x128xi32, #tpu.memory_space<vmem>> -> memref<1x128xi32, #tpu.memory_space<vmem>>
        %dma_wait3A_316 = arith.constant 0 : i32
        %dma_wait3A_317 = arith.constant 0 : i32
        %dma_wait3A_318 = tpu.memref_slice %arg4[%dma_wait3A_316, %dma_wait3A_317] : memref<6250x128xi32, #tpu.memory_space<hbm>> -> memref<1x128xi32, #tpu.memory_space<hbm>>
        tpu.wait_dma2 semaphore(%arg25 : memref<!tpu.dma_semaphore, #tpu.memory_space<semaphore_mem>>) src(%dma_wait3A_318 : memref<1x128xi32, #tpu.memory_space<hbm>>) dst(%dma_wait3A_315 : memref<1x128xi32, #tpu.memory_space<vmem>>)
        %dma_start3A_319 = arith.constant 2 : i32
        %dma_start3A_320 = arith.constant 256 : i32
        %dma_start3A_321 = arith.constant 0 : i32
        %dma_start3A_322 = tpu.memref_slice %arg10[%dma_start3A_320, %dma_start3A_321] : memref<512x32xf32, #tpu.memory_space<vmem>> -> memref<128x32xf32, #tpu.memory_space<vmem>>
        %dma_start3A_323 = arith.constant 0 : i32
        %dma_start3A_324 = tpu.memref_slice %arg9[%dma_start3A_319, %dma_start3A_323] : memref<4x128xi32, #tpu.memory_space<vmem>> -> memref<1x128xi32, #tpu.memory_space<vmem>>
        %dma_start3A_325 = tpu.memref_squeeze %dma_start3A_324 : memref<1x128xi32, #tpu.memory_space<vmem>> -> memref<128xi32, #tpu.memory_space<vmem>>
        %dma_start3A_326 = arith.constant 0 : i32
        %dma_start3A_327 = arith.constant 0 : i32
        %dma_start3A_328 = tpu.memref_slice %arg7[%dma_start3A_326, %dma_start3A_327] : memref<50000x32xf32, #tpu.memory_space<vmem_shared>> -> memref<50000x32xf32, #tpu.memory_space<vmem_shared>>
        tpu.enqueue_indirect_dma source(%dma_start3A_322 : memref<128x32xf32, #tpu.memory_space<vmem>>) target(%dma_start3A_328 : memref<50000x32xf32, #tpu.memory_space<vmem_shared>>) offsets(%dma_start3A_325 : memref<128xi32, #tpu.memory_space<vmem>>) semaphore(%arg17 : memref<!tpu.dma_semaphore, #tpu.memory_space<semaphore_mem>>) {add = true}
        %dma_wait3A_329 = arith.constant 2 : i32
        %dma_wait3A_330 = arith.constant 256 : i32
        %dma_wait3A_331 = arith.constant 0 : i32
        %dma_wait3A_332 = tpu.memref_slice %arg10[%dma_wait3A_330, %dma_wait3A_331] : memref<512x32xf32, #tpu.memory_space<vmem>> -> memref<128x32xf32, #tpu.memory_space<vmem>>
        %dma_wait3A_333 = arith.constant 0 : i32
        %dma_wait3A_334 = tpu.memref_slice %arg9[%dma_wait3A_329, %dma_wait3A_333] : memref<4x128xi32, #tpu.memory_space<vmem>> -> memref<1x128xi32, #tpu.memory_space<vmem>>
        %dma_wait3A_335 = tpu.memref_squeeze %dma_wait3A_334 : memref<1x128xi32, #tpu.memory_space<vmem>> -> memref<128xi32, #tpu.memory_space<vmem>>
        %dma_wait3A_336 = arith.constant 0 : i32
        %dma_wait3A_337 = arith.constant 0 : i32
        %dma_wait3A_338 = tpu.memref_slice %arg7[%dma_wait3A_336, %dma_wait3A_337] : memref<50000x32xf32, #tpu.memory_space<vmem_shared>> -> memref<50000x32xf32, #tpu.memory_space<vmem_shared>>
        tpu.wait_indirect_dma semaphore(%arg17 : memref<!tpu.dma_semaphore, #tpu.memory_space<semaphore_mem>>) src(%dma_wait3A_332 : memref<128x32xf32, #tpu.memory_space<vmem>>) dst(%dma_wait3A_338 : memref<50000x32xf32, #tpu.memory_space<vmem_shared>>)
      } else {
      }
      %convert_element_type3A_276 = arith.extui %lt3A_266 : i1 to i32
      %cond3A_277 = arith.constant 0 : i32
      %cond3A_278 = arith.cmpi ne, %convert_element_type3A_276, %cond3A_277 : i32
      scf.if %cond3A_278 {
        %add3A_307 = arith.constant 4 : i32
        %add3A_308 = arith.addi %add3A_254, %add3A_307 : i32
        %mul3A_309 = arith.constant 32 : i32
        %mul3A_310 = arith.muli %add3A_308, %mul3A_309 : i32
        %add3A_311 = arith.addi %mul3A_310, %add3A : i32
        %dma_start3A_312 = arith.constant 2 : i32
        %dma_start3A_313 = arith.constant 0 : i32
        %dma_start3A_314 = tpu.memref_slice %arg9[%dma_start3A_312, %dma_start3A_313] : memref<4x128xi32, #tpu.memory_space<vmem>> -> memref<1x128xi32, #tpu.memory_space<vmem>>
        %dma_start3A_315 = arith.constant 0 : i32
        %dma_start3A_316 = tpu.memref_slice %arg4[%add3A_311, %dma_start3A_315] : memref<6250x128xi32, #tpu.memory_space<hbm>> -> memref<1x128xi32, #tpu.memory_space<hbm>>
        %dma_start3A_317 = arith.constant 2 : i32
        %dma_start3A_318 = arith.constant 0 : i32
        %dma_start3A_319 = tpu.memref_slice %arg9[%dma_start3A_317, %dma_start3A_318] : memref<4x128xi32, #tpu.memory_space<vmem>> -> memref<1x128xi32, #tpu.memory_space<vmem>>
        %dma_start3A_320 = arith.constant 0 : i32
        %dma_start3A_321 = tpu.memref_slice %arg4[%add3A_311, %dma_start3A_320] : memref<6250x128xi32, #tpu.memory_space<hbm>> -> memref<1x128xi32, #tpu.memory_space<hbm>>
        tpu.enqueue_dma source(%dma_start3A_321 : memref<1x128xi32, #tpu.memory_space<hbm>>) target(%dma_start3A_319 : memref<1x128xi32, #tpu.memory_space<vmem>>) target_semaphore(%arg25 : memref<!tpu.dma_semaphore, #tpu.memory_space<semaphore_mem>>)
        %dma_wait3A_322 = arith.constant 2 : i32
        %dma_wait3A_323 = arith.constant 0 : i32
        %dma_wait3A_324 = tpu.memref_slice %arg8[%dma_wait3A_322, %dma_wait3A_323] : memref<4x128xi32, #tpu.memory_space<vmem>> -> memref<1x128xi32, #tpu.memory_space<vmem>>
        %dma_wait3A_325 = arith.constant 0 : i32
        %dma_wait3A_326 = arith.constant 0 : i32
        %dma_wait3A_327 = tpu.memref_slice %arg3[%dma_wait3A_325, %dma_wait3A_326] : memref<6250x128xi32, #tpu.memory_space<hbm>> -> memref<1x128xi32, #tpu.memory_space<hbm>>
        %dma_wait3A_328 = arith.constant 2 : i32
        %dma_wait3A_329 = arith.constant 0 : i32
        %dma_wait3A_330 = tpu.memref_slice %arg8[%dma_wait3A_328, %dma_wait3A_329] : memref<4x128xi32, #tpu.memory_space<vmem>> -> memref<1x128xi32, #tpu.memory_space<vmem>>
        %dma_wait3A_331 = arith.constant 0 : i32
        %dma_wait3A_332 = arith.constant 0 : i32
        %dma_wait3A_333 = tpu.memref_slice %arg3[%dma_wait3A_331, %dma_wait3A_332] : memref<6250x128xi32, #tpu.memory_space<hbm>> -> memref<1x128xi32, #tpu.memory_space<hbm>>
        tpu.wait_dma2 semaphore(%arg21 : memref<!tpu.dma_semaphore, #tpu.memory_space<semaphore_mem>>) src(%dma_wait3A_333 : memref<1x128xi32, #tpu.memory_space<hbm>>) dst(%dma_wait3A_330 : memref<1x128xi32, #tpu.memory_space<vmem>>)
        %dma_start3A_334 = arith.constant 2 : i32
        %dma_start3A_335 = arith.constant 256 : i32
        %dma_start3A_336 = arith.constant 0 : i32
        %dma_start3A_337 = tpu.memref_slice %arg10[%dma_start3A_335, %dma_start3A_336] : memref<512x32xf32, #tpu.memory_space<vmem>> -> memref<128x32xf32, #tpu.memory_space<vmem>>
        %dma_start3A_338 = arith.constant 0 : i32
        %dma_start3A_339 = tpu.memref_slice %arg8[%dma_start3A_334, %dma_start3A_338] : memref<4x128xi32, #tpu.memory_space<vmem>> -> memref<1x128xi32, #tpu.memory_space<vmem>>
        %dma_start3A_340 = tpu.memref_squeeze %dma_start3A_339 : memref<1x128xi32, #tpu.memory_space<vmem>> -> memref<128xi32, #tpu.memory_space<vmem>>
        %dma_start3A_341 = arith.constant 0 : i32
        %dma_start3A_342 = arith.constant 0 : i32
        %dma_start3A_343 = tpu.memref_slice %arg2[%dma_start3A_341, %dma_start3A_342] : memref<50000x32xf32, #tpu.memory_space<hbm>> -> memref<50000x32xf32, #tpu.memory_space<hbm>>
        tpu.enqueue_indirect_dma source(%dma_start3A_343 : memref<50000x32xf32, #tpu.memory_space<hbm>>) target(%dma_start3A_337 : memref<128x32xf32, #tpu.memory_space<vmem>>) offsets(%dma_start3A_340 : memref<128xi32, #tpu.memory_space<vmem>>) semaphore(%arg13 : memref<!tpu.dma_semaphore, #tpu.memory_space<semaphore_mem>>)
      } else {
      }
      %mul3A_279 = arith.constant 4 : i32
      %mul3A_280 = arith.muli %mul3A_279, %scan3A_197 : i32
      %add3A_281 = arith.constant 3 : i32
      %add3A_282 = arith.addi %mul3A_280, %add3A_281 : i32
      %mul3A_283 = arith.constant 32 : i32
      %mul3A_284 = arith.muli %add3A_282, %mul3A_283 : i32
      %add3A_285 = arith.addi %mul3A_284, %add3A : i32
      %lt3A_286 = arith.constant 6250 : i32
      %lt3A_287 = arith.cmpi slt, %add3A_285, %lt3A_286 : i32
      %add3A_288 = arith.constant 4 : i32
      %add3A_289 = arith.addi %add3A_282, %add3A_288 : i32
      %mul3A_290 = arith.constant 32 : i32
      %mul3A_291 = arith.muli %add3A_289, %mul3A_290 : i32
      %add3A_292 = arith.addi %mul3A_291, %add3A : i32
      %lt3A_293 = arith.constant 6250 : i32
      %lt3A_294 = arith.cmpi slt, %add3A_292, %lt3A_293 : i32
      %convert_element_type3A_295 = arith.extui %lt3A_287 : i1 to i32
      %cond3A_296 = arith.constant 0 : i32
      %cond3A_297 = arith.cmpi ne, %convert_element_type3A_295, %cond3A_296 : i32
      scf.if %cond3A_297 {
        %dma_wait3A_307 = arith.constant 3 : i32
        %dma_wait3A_308 = arith.constant 384 : i32
        %dma_wait3A_309 = arith.constant 0 : i32
        %dma_wait3A_310 = tpu.memref_slice %arg10[%dma_wait3A_308, %dma_wait3A_309] : memref<512x32xf32, #tpu.memory_space<vmem>> -> memref<128x32xf32, #tpu.memory_space<vmem>>
        %dma_wait3A_311 = arith.constant 0 : i32
        %dma_wait3A_312 = tpu.memref_slice %arg8[%dma_wait3A_307, %dma_wait3A_311] : memref<4x128xi32, #tpu.memory_space<vmem>> -> memref<1x128xi32, #tpu.memory_space<vmem>>
        %dma_wait3A_313 = tpu.memref_squeeze %dma_wait3A_312 : memref<1x128xi32, #tpu.memory_space<vmem>> -> memref<128xi32, #tpu.memory_space<vmem>>
        %dma_wait3A_314 = arith.constant 0 : i32
        %dma_wait3A_315 = arith.constant 0 : i32
        %dma_wait3A_316 = tpu.memref_slice %arg2[%dma_wait3A_314, %dma_wait3A_315] : memref<50000x32xf32, #tpu.memory_space<hbm>> -> memref<50000x32xf32, #tpu.memory_space<hbm>>
        tpu.wait_indirect_dma semaphore(%arg14 : memref<!tpu.dma_semaphore, #tpu.memory_space<semaphore_mem>>) src(%dma_wait3A_316 : memref<50000x32xf32, #tpu.memory_space<hbm>>) dst(%dma_wait3A_310 : memref<128x32xf32, #tpu.memory_space<vmem>>)
      } else {
      }
      %convert_element_type3A_298 = arith.extui %lt3A_294 : i1 to i32
      %cond3A_299 = arith.constant 0 : i32
      %cond3A_300 = arith.cmpi ne, %convert_element_type3A_298, %cond3A_299 : i32
      scf.if %cond3A_300 {
        %add3A_307 = arith.constant 4 : i32
        %add3A_308 = arith.addi %add3A_282, %add3A_307 : i32
        %mul3A_309 = arith.constant 32 : i32
        %mul3A_310 = arith.muli %add3A_308, %mul3A_309 : i32
        %add3A_311 = arith.addi %mul3A_310, %add3A : i32
        %dma_start3A_312 = arith.constant 3 : i32
        %dma_start3A_313 = arith.constant 0 : i32
        %dma_start3A_314 = tpu.memref_slice %arg8[%dma_start3A_312, %dma_start3A_313] : memref<4x128xi32, #tpu.memory_space<vmem>> -> memref<1x128xi32, #tpu.memory_space<vmem>>
        %dma_start3A_315 = arith.constant 0 : i32
        %dma_start3A_316 = tpu.memref_slice %arg3[%add3A_311, %dma_start3A_315] : memref<6250x128xi32, #tpu.memory_space<hbm>> -> memref<1x128xi32, #tpu.memory_space<hbm>>
        %dma_start3A_317 = arith.constant 3 : i32
        %dma_start3A_318 = arith.constant 0 : i32
        %dma_start3A_319 = tpu.memref_slice %arg8[%dma_start3A_317, %dma_start3A_318] : memref<4x128xi32, #tpu.memory_space<vmem>> -> memref<1x128xi32, #tpu.memory_space<vmem>>
        %dma_start3A_320 = arith.constant 0 : i32
        %dma_start3A_321 = tpu.memref_slice %arg3[%add3A_311, %dma_start3A_320] : memref<6250x128xi32, #tpu.memory_space<hbm>> -> memref<1x128xi32, #tpu.memory_space<hbm>>
        tpu.enqueue_dma source(%dma_start3A_321 : memref<1x128xi32, #tpu.memory_space<hbm>>) target(%dma_start3A_319 : memref<1x128xi32, #tpu.memory_space<vmem>>) target_semaphore(%arg22 : memref<!tpu.dma_semaphore, #tpu.memory_space<semaphore_mem>>)
      } else {
      }
      %convert_element_type3A_301 = arith.extui %lt3A_287 : i1 to i32
      %cond3A_302 = arith.constant 0 : i32
      %cond3A_303 = arith.cmpi ne, %convert_element_type3A_301, %cond3A_302 : i32
      scf.if %cond3A_303 {
        %dma_wait3A_307 = arith.constant 3 : i32
        %dma_wait3A_308 = arith.constant 0 : i32
        %dma_wait3A_309 = tpu.memref_slice %arg9[%dma_wait3A_307, %dma_wait3A_308] : memref<4x128xi32, #tpu.memory_space<vmem>> -> memref<1x128xi32, #tpu.memory_space<vmem>>
        %dma_wait3A_310 = arith.constant 0 : i32
        %dma_wait3A_311 = arith.constant 0 : i32
        %dma_wait3A_312 = tpu.memref_slice %arg4[%dma_wait3A_310, %dma_wait3A_311] : memref<6250x128xi32, #tpu.memory_space<hbm>> -> memref<1x128xi32, #tpu.memory_space<hbm>>
        %dma_wait3A_313 = arith.constant 3 : i32
        %dma_wait3A_314 = arith.constant 0 : i32
        %dma_wait3A_315 = tpu.memref_slice %arg9[%dma_wait3A_313, %dma_wait3A_314] : memref<4x128xi32, #tpu.memory_space<vmem>> -> memref<1x128xi32, #tpu.memory_space<vmem>>
        %dma_wait3A_316 = arith.constant 0 : i32
        %dma_wait3A_317 = arith.constant 0 : i32
        %dma_wait3A_318 = tpu.memref_slice %arg4[%dma_wait3A_316, %dma_wait3A_317] : memref<6250x128xi32, #tpu.memory_space<hbm>> -> memref<1x128xi32, #tpu.memory_space<hbm>>
        tpu.wait_dma2 semaphore(%arg26 : memref<!tpu.dma_semaphore, #tpu.memory_space<semaphore_mem>>) src(%dma_wait3A_318 : memref<1x128xi32, #tpu.memory_space<hbm>>) dst(%dma_wait3A_315 : memref<1x128xi32, #tpu.memory_space<vmem>>)
        %dma_start3A_319 = arith.constant 3 : i32
        %dma_start3A_320 = arith.constant 384 : i32
        %dma_start3A_321 = arith.constant 0 : i32
        %dma_start3A_322 = tpu.memref_slice %arg10[%dma_start3A_320, %dma_start3A_321] : memref<512x32xf32, #tpu.memory_space<vmem>> -> memref<128x32xf32, #tpu.memory_space<vmem>>
        %dma_start3A_323 = arith.constant 0 : i32
        %dma_start3A_324 = tpu.memref_slice %arg9[%dma_start3A_319, %dma_start3A_323] : memref<4x128xi32, #tpu.memory_space<vmem>> -> memref<1x128xi32, #tpu.memory_space<vmem>>
        %dma_start3A_325 = tpu.memref_squeeze %dma_start3A_324 : memref<1x128xi32, #tpu.memory_space<vmem>> -> memref<128xi32, #tpu.memory_space<vmem>>
        %dma_start3A_326 = arith.constant 0 : i32
        %dma_start3A_327 = arith.constant 0 : i32
        %dma_start3A_328 = tpu.memref_slice %arg7[%dma_start3A_326, %dma_start3A_327] : memref<50000x32xf32, #tpu.memory_space<vmem_shared>> -> memref<50000x32xf32, #tpu.memory_space<vmem_shared>>
        tpu.enqueue_indirect_dma source(%dma_start3A_322 : memref<128x32xf32, #tpu.memory_space<vmem>>) target(%dma_start3A_328 : memref<50000x32xf32, #tpu.memory_space<vmem_shared>>) offsets(%dma_start3A_325 : memref<128xi32, #tpu.memory_space<vmem>>) semaphore(%arg18 : memref<!tpu.dma_semaphore, #tpu.memory_space<semaphore_mem>>) {add = true}
        %dma_wait3A_329 = arith.constant 3 : i32
        %dma_wait3A_330 = arith.constant 384 : i32
        %dma_wait3A_331 = arith.constant 0 : i32
        %dma_wait3A_332 = tpu.memref_slice %arg10[%dma_wait3A_330, %dma_wait3A_331] : memref<512x32xf32, #tpu.memory_space<vmem>> -> memref<128x32xf32, #tpu.memory_space<vmem>>
        %dma_wait3A_333 = arith.constant 0 : i32
        %dma_wait3A_334 = tpu.memref_slice %arg9[%dma_wait3A_329, %dma_wait3A_333] : memref<4x128xi32, #tpu.memory_space<vmem>> -> memref<1x128xi32, #tpu.memory_space<vmem>>
        %dma_wait3A_335 = tpu.memref_squeeze %dma_wait3A_334 : memref<1x128xi32, #tpu.memory_space<vmem>> -> memref<128xi32, #tpu.memory_space<vmem>>
        %dma_wait3A_336 = arith.constant 0 : i32
        %dma_wait3A_337 = arith.constant 0 : i32
        %dma_wait3A_338 = tpu.memref_slice %arg7[%dma_wait3A_336, %dma_wait3A_337] : memref<50000x32xf32, #tpu.memory_space<vmem_shared>> -> memref<50000x32xf32, #tpu.memory_space<vmem_shared>>
        tpu.wait_indirect_dma semaphore(%arg18 : memref<!tpu.dma_semaphore, #tpu.memory_space<semaphore_mem>>) src(%dma_wait3A_332 : memref<128x32xf32, #tpu.memory_space<vmem>>) dst(%dma_wait3A_338 : memref<50000x32xf32, #tpu.memory_space<vmem_shared>>)
      } else {
      }
      %convert_element_type3A_304 = arith.extui %lt3A_294 : i1 to i32
      %cond3A_305 = arith.constant 0 : i32
      %cond3A_306 = arith.cmpi ne, %convert_element_type3A_304, %cond3A_305 : i32
      scf.if %cond3A_306 {
        %add3A_307 = arith.constant 4 : i32
        %add3A_308 = arith.addi %add3A_282, %add3A_307 : i32
        %mul3A_309 = arith.constant 32 : i32
        %mul3A_310 = arith.muli %add3A_308, %mul3A_309 : i32
        %add3A_311 = arith.addi %mul3A_310, %add3A : i32
        %dma_start3A_312 = arith.constant 3 : i32
        %dma_start3A_313 = arith.constant 0 : i32
        %dma_start3A_314 = tpu.memref_slice %arg9[%dma_start3A_312, %dma_start3A_313] : memref<4x128xi32, #tpu.memory_space<vmem>> -> memref<1x128xi32, #tpu.memory_space<vmem>>
        %dma_start3A_315 = arith.constant 0 : i32
        %dma_start3A_316 = tpu.memref_slice %arg4[%add3A_311, %dma_start3A_315] : memref<6250x128xi32, #tpu.memory_space<hbm>> -> memref<1x128xi32, #tpu.memory_space<hbm>>
        %dma_start3A_317 = arith.constant 3 : i32
        %dma_start3A_318 = arith.constant 0 : i32
        %dma_start3A_319 = tpu.memref_slice %arg9[%dma_start3A_317, %dma_start3A_318] : memref<4x128xi32, #tpu.memory_space<vmem>> -> memref<1x128xi32, #tpu.memory_space<vmem>>
        %dma_start3A_320 = arith.constant 0 : i32
        %dma_start3A_321 = tpu.memref_slice %arg4[%add3A_311, %dma_start3A_320] : memref<6250x128xi32, #tpu.memory_space<hbm>> -> memref<1x128xi32, #tpu.memory_space<hbm>>
        tpu.enqueue_dma source(%dma_start3A_321 : memref<1x128xi32, #tpu.memory_space<hbm>>) target(%dma_start3A_319 : memref<1x128xi32, #tpu.memory_space<vmem>>) target_semaphore(%arg26 : memref<!tpu.dma_semaphore, #tpu.memory_space<semaphore_mem>>)
        %dma_wait3A_322 = arith.constant 3 : i32
        %dma_wait3A_323 = arith.constant 0 : i32
        %dma_wait3A_324 = tpu.memref_slice %arg8[%dma_wait3A_322, %dma_wait3A_323] : memref<4x128xi32, #tpu.memory_space<vmem>> -> memref<1x128xi32, #tpu.memory_space<vmem>>
        %dma_wait3A_325 = arith.constant 0 : i32
        %dma_wait3A_326 = arith.constant 0 : i32
        %dma_wait3A_327 = tpu.memref_slice %arg3[%dma_wait3A_325, %dma_wait3A_326] : memref<6250x128xi32, #tpu.memory_space<hbm>> -> memref<1x128xi32, #tpu.memory_space<hbm>>
        %dma_wait3A_328 = arith.constant 3 : i32
        %dma_wait3A_329 = arith.constant 0 : i32
        %dma_wait3A_330 = tpu.memref_slice %arg8[%dma_wait3A_328, %dma_wait3A_329] : memref<4x128xi32, #tpu.memory_space<vmem>> -> memref<1x128xi32, #tpu.memory_space<vmem>>
        %dma_wait3A_331 = arith.constant 0 : i32
        %dma_wait3A_332 = arith.constant 0 : i32
        %dma_wait3A_333 = tpu.memref_slice %arg3[%dma_wait3A_331, %dma_wait3A_332] : memref<6250x128xi32, #tpu.memory_space<hbm>> -> memref<1x128xi32, #tpu.memory_space<hbm>>
        tpu.wait_dma2 semaphore(%arg22 : memref<!tpu.dma_semaphore, #tpu.memory_space<semaphore_mem>>) src(%dma_wait3A_333 : memref<1x128xi32, #tpu.memory_space<hbm>>) dst(%dma_wait3A_330 : memref<1x128xi32, #tpu.memory_space<vmem>>)
        %dma_start3A_334 = arith.constant 3 : i32
        %dma_start3A_335 = arith.constant 384 : i32
        %dma_start3A_336 = arith.constant 0 : i32
        %dma_start3A_337 = tpu.memref_slice %arg10[%dma_start3A_335, %dma_start3A_336] : memref<512x32xf32, #tpu.memory_space<vmem>> -> memref<128x32xf32, #tpu.memory_space<vmem>>
        %dma_start3A_338 = arith.constant 0 : i32
        %dma_start3A_339 = tpu.memref_slice %arg8[%dma_start3A_334, %dma_start3A_338] : memref<4x128xi32, #tpu.memory_space<vmem>> -> memref<1x128xi32, #tpu.memory_space<vmem>>
        %dma_start3A_340 = tpu.memref_squeeze %dma_start3A_339 : memref<1x128xi32, #tpu.memory_space<vmem>> -> memref<128xi32, #tpu.memory_space<vmem>>
        %dma_start3A_341 = arith.constant 0 : i32
        %dma_start3A_342 = arith.constant 0 : i32
        %dma_start3A_343 = tpu.memref_slice %arg2[%dma_start3A_341, %dma_start3A_342] : memref<50000x32xf32, #tpu.memory_space<hbm>> -> memref<50000x32xf32, #tpu.memory_space<hbm>>
        tpu.enqueue_indirect_dma source(%dma_start3A_343 : memref<50000x32xf32, #tpu.memory_space<hbm>>) target(%dma_start3A_337 : memref<128x32xf32, #tpu.memory_space<vmem>>) offsets(%dma_start3A_340 : memref<128xi32, #tpu.memory_space<vmem>>) semaphore(%arg14 : memref<!tpu.dma_semaphore, #tpu.memory_space<semaphore_mem>>)
      } else {
      }
    }
    %scan3A_191 = arith.constant 49 : i32
    %barrier3A_192 = arith.constant 0 : index
    tpu.barrier barrier_id(%barrier3A_192)
    %mul3A_193 = arith.constant 3125 : i32
    %mul3A_194 = arith.muli %arg1, %mul3A_193 : i32
    %mul3A_195 = arith.constant 3125 : i32
    %mul3A_196 = arith.muli %arg1, %mul3A_195 : i32
    "tpu.region"() ({
      %run_scoped3A = tpu.sem_alloc : memref<!tpu.dma_semaphore, #tpu.memory_space<semaphore_mem>>
      %dma_start3A_197 = arith.constant 0 : i32
      %dma_start3A_198 = tpu.memref_slice %arg6[%arg0, %mul3A_196, %dma_start3A_197] : memref<2x50000x32xf32, #tpu.memory_space<hbm>> -> memref<1x3125x32xf32, #tpu.memory_space<hbm>>
      %dma_start3A_199 = tpu.memref_squeeze %dma_start3A_198 : memref<1x3125x32xf32, #tpu.memory_space<hbm>> -> memref<3125x32xf32, #tpu.memory_space<hbm>>
      %dma_start3A_200 = arith.constant 0 : i32
      %dma_start3A_201 = tpu.memref_slice %arg7[%mul3A_194, %dma_start3A_200] : memref<50000x32xf32, #tpu.memory_space<vmem_shared>> -> memref<3125x32xf32, #tpu.memory_space<vmem_shared>>
      tpu.enqueue_dma source(%dma_start3A_201 : memref<3125x32xf32, #tpu.memory_space<vmem_shared>>) target(%dma_start3A_199 : memref<3125x32xf32, #tpu.memory_space<hbm>>) target_semaphore(%run_scoped3A : memref<!tpu.dma_semaphore, #tpu.memory_space<semaphore_mem>>)
      %dma_wait3A_202 = arith.constant 0 : i32
      %dma_wait3A_203 = tpu.memref_slice %arg6[%arg0, %mul3A_196, %dma_wait3A_202] : memref<2x50000x32xf32, #tpu.memory_space<hbm>> -> memref<1x3125x32xf32, #tpu.memory_space<hbm>>
      %dma_wait3A_204 = tpu.memref_squeeze %dma_wait3A_203 : memref<1x3125x32xf32, #tpu.memory_space<hbm>> -> memref<3125x32xf32, #tpu.memory_space<hbm>>
      %dma_wait3A_205 = arith.constant 0 : i32
      %dma_wait3A_206 = tpu.memref_slice %arg7[%mul3A_194, %dma_wait3A_205] : memref<50000x32xf32, #tpu.memory_space<vmem_shared>> -> memref<3125x32xf32, #tpu.memory_space<vmem_shared>>
      tpu.wait_dma2 semaphore(%run_scoped3A : memref<!tpu.dma_semaphore, #tpu.memory_space<semaphore_mem>>) src(%dma_wait3A_206 : memref<3125x32xf32, #tpu.memory_space<vmem_shared>>) dst(%dma_wait3A_204 : memref<3125x32xf32, #tpu.memory_space<hbm>>)
      tpu.yield
    }) : () -> ()
    return
  }
}

module attributes {stable_mosaic.version = 14 : i64} {
  func.func @_dense_body(%arg0: i32, %arg1: memref<2000x512xf32, #tpu.memory_space<vmem>>, %arg2: memref<1x2000x16xf32, #tpu.memory_space<vmem>>, %arg3: memref<512x32xf32, #tpu.memory_space<vmem>>, %arg4: memref<1x32xf32, #tpu.memory_space<vmem>>, %arg5: memref<32x32xf32, #tpu.memory_space<vmem>>, %arg6: memref<2000x32xf32, #tpu.memory_space<vmem>>, %arg7: memref<2000x32xf32, #tpu.memory_space<vmem>>) attributes {dimension_semantics = [#tpu.dimension_semantics<arbitrary>], iteration_bounds = array<i64: 25>, scalar_prefetch = 0 : i64, scratch_operands = 0 : i64, tpu.core_type = #tpu.core_type<tc>, window_params = [{transform_indices = @transform_0, window_bounds = array<i64: 2000, 512>}, {transform_indices = @transform_1, window_bounds = array<i64: 1, 2000, 16>}, {pipeline_mode = #tpu.pipeline_mode<synchronous>, transform_indices = @transform_2, window_bounds = array<i64: 512, 32>}, {pipeline_mode = #tpu.pipeline_mode<synchronous>, transform_indices = @transform_3, window_bounds = array<i64: 1, 32>}, {pipeline_mode = #tpu.pipeline_mode<synchronous>, transform_indices = @transform_4, window_bounds = array<i64: 32, 32>}, {transform_indices = @transform_5, window_bounds = array<i64: 2000, 32>}, {transform_indices = @transform_6, window_bounds = array<i64: 2000, 32>}]} {
    %get3A = arith.constant 0 : index
    %get3A_0 = arith.constant 0 : index
    %get3A_1 = vector.load %arg1[%get3A, %get3A_0] : memref<2000x512xf32, #tpu.memory_space<vmem>>, vector<2000x512xf32>
    %get3A_2 = arith.constant 0 : index
    %get3A_3 = arith.constant 0 : index
    %get3A_4 = vector.load %arg3[%get3A_2, %get3A_3] : memref<512x32xf32, #tpu.memory_space<vmem>>, vector<512x32xf32>
    %dot_general3A = arith.constant dense<0.000000e+00> : vector<2000x32xf32>
    %dot_general3A_5 = tpu.matmul %get3A_1, %get3A_4, %dot_general3A {dimension_numbers = #tpu.dot_dimension_numbers<[1], [0], [0], [1], [0, 0, 1, 1], [], []>, transpose_lhs_hint = false} : vector<2000x512xf32>, vector<512x32xf32>, vector<2000x32xf32> -> vector<2000x32xf32>
    %get3A_6 = arith.constant 0 : index
    %get3A_7 = arith.constant 0 : index
    %get3A_8 = vector.load %arg4[%get3A_6, %get3A_7] : memref<1x32xf32, #tpu.memory_space<vmem>>, vector<1x32xf32>
    %add3A = vector.broadcast %get3A_8 : vector<1x32xf32> to vector<2000x32xf32>
    %add3A_9 = arith.addf %dot_general3A_5, %add3A : vector<2000x32xf32>
    %swap3A = arith.constant 0 : index
    %swap3A_10 = arith.constant 0 : index
    %swap3A_11 = vector.load %arg6[%swap3A, %swap3A_10] : memref<2000x32xf32, #tpu.memory_space<vmem>>, vector<2000x32xf32>
    tpu.vector_store %arg6[%swap3A, %swap3A_10], %add3A_9 {strides = array<i32>} : memref<2000x32xf32, #tpu.memory_space<vmem>>, vector<2000x32xf32>,
    %get3A_12 = arith.constant 0 : index
    %get3A_13 = arith.constant 0 : index
    %get3A_14 = arith.constant 0 : index
    %get3A_15 = vector.load %arg2[%get3A_12, %get3A_13, %get3A_14] : memref<1x2000x16xf32, #tpu.memory_space<vmem>>, vector<1x2000x16xf32>
    %get3A_16 = vector.shape_cast %get3A_15 : vector<1x2000x16xf32> to vector<2000x16xf32>
    %slice3A = vector.extract_strided_slice %get3A_16 {offsets = [0, 0], sizes = [2000, 1], strides = [1, 1]} : vector<2000x16xf32> to vector<2000x1xf32>
    %max3A = arith.constant 1.000000e+00 : f32
    %max3A_17 = vector.broadcast %max3A : f32 to vector<2000x1xf32>
    %max3A_18 = arith.maximumf %slice3A, %max3A_17 : vector<2000x1xf32>
    %rsqrt3A = math.rsqrt %max3A_18 : vector<2000x1xf32>
    %get3A_19 = arith.constant 0 : index
    %get3A_20 = arith.constant 0 : index
    %get3A_21 = vector.load %arg5[%get3A_19, %get3A_20] : memref<32x32xf32, #tpu.memory_space<vmem>>, vector<32x32xf32>
    %dot_general3A_22 = arith.constant dense<0.000000e+00> : vector<2000x32xf32>
    %dot_general3A_23 = tpu.matmul %add3A_9, %get3A_21, %dot_general3A_22 {dimension_numbers = #tpu.dot_dimension_numbers<[1], [0], [0], [1], [0, 0, 1, 1], [], []>, transpose_lhs_hint = false} : vector<2000x32xf32>, vector<32x32xf32>, vector<2000x32xf32> -> vector<2000x32xf32>
    %mul3A = vector.broadcast %rsqrt3A : vector<2000x1xf32> to vector<2000x32xf32>
    %mul3A_24 = arith.mulf %dot_general3A_23, %mul3A : vector<2000x32xf32>
    %swap3A_25 = arith.constant 0 : index
    %swap3A_26 = arith.constant 0 : index
    %swap3A_27 = vector.load %arg7[%swap3A_25, %swap3A_26] : memref<2000x32xf32, #tpu.memory_space<vmem>>, vector<2000x32xf32>
    tpu.vector_store %arg7[%swap3A_25, %swap3A_26], %mul3A_24 {strides = array<i32>} : memref<2000x32xf32, #tpu.memory_space<vmem>>, vector<2000x32xf32>,
    return
  }
  func.func @transform_0(%arg0: i32) -> (i32, i32) {
    %c0_i32 = arith.constant 0 : i32
    %c0_i32_0 = arith.constant 0 : i32
    return %arg0, %c0_i32 : i32, i32
  }
  func.func @transform_1(%arg0: i32) -> (i32, i32, i32) {
    %c0_i32 = arith.constant 0 : i32
    %c0_i32_0 = arith.constant 0 : i32
    %c0_i32_1 = arith.constant 0 : i32
    return %c0_i32, %arg0, %c0_i32_0 : i32, i32, i32
  }
  func.func @transform_2(%arg0: i32) -> (i32, i32) {
    %c0_i32 = arith.constant 0 : i32
    %c0_i32_0 = arith.constant 0 : i32
    %c0_i32_1 = arith.constant 0 : i32
    return %c0_i32, %c0_i32_0 : i32, i32
  }
  func.func @transform_3(%arg0: i32) -> (i32, i32) {
    %c0_i32 = arith.constant 0 : i32
    %c0_i32_0 = arith.constant 0 : i32
    %c0_i32_1 = arith.constant 0 : i32
    return %c0_i32, %c0_i32_0 : i32, i32
  }
  func.func @transform_4(%arg0: i32) -> (i32, i32) {
    %c0_i32 = arith.constant 0 : i32
    %c0_i32_0 = arith.constant 0 : i32
    %c0_i32_1 = arith.constant 0 : i32
    return %c0_i32, %c0_i32_0 : i32, i32
  }
  func.func @transform_5(%arg0: i32) -> (i32, i32) {
    %c0_i32 = arith.constant 0 : i32
    %c0_i32_0 = arith.constant 0 : i32
    return %arg0, %c0_i32 : i32, i32
  }
  func.func @transform_6(%arg0: i32) -> (i32, i32) {
    %c0_i32 = arith.constant 0 : i32
    %c0_i32_0 = arith.constant 0 : i32
    return %arg0, %c0_i32 : i32, i32
  }
}

module attributes {stable_mosaic.version = 14 : i64} {
  func.func @_final_body(%arg0: i32, %arg1: memref<1000x32xf32, #tpu.memory_space<vmem>>, %arg2: memref<2x1000x32xf32, #tpu.memory_space<vmem>>, %arg3: memref<1x1000x16xf32, #tpu.memory_space<vmem>>, %arg4: memref<1x32xf32, #tpu.memory_space<vmem>>, %arg5: memref<1x32xf32, #tpu.memory_space<vmem>>, %arg6: memref<1x32xf32, #tpu.memory_space<vmem>>, %arg7: memref<8x32xf32, #tpu.memory_space<vmem>>) attributes {dimension_semantics = [#tpu.dimension_semantics<arbitrary>], iteration_bounds = array<i64: 50>, scalar_prefetch = 0 : i64, scratch_operands = 0 : i64, tpu.core_type = #tpu.core_type<tc>, window_params = [{transform_indices = @transform_0, window_bounds = array<i64: 1000, 32>}, {transform_indices = @transform_1, window_bounds = array<i64: 2, 1000, 32>}, {transform_indices = @transform_2, window_bounds = array<i64: 1, 1000, 16>}, {pipeline_mode = #tpu.pipeline_mode<synchronous>, transform_indices = @transform_3, window_bounds = array<i64: 1, 32>}, {pipeline_mode = #tpu.pipeline_mode<synchronous>, transform_indices = @transform_4, window_bounds = array<i64: 1, 32>}, {pipeline_mode = #tpu.pipeline_mode<synchronous>, transform_indices = @transform_5, window_bounds = array<i64: 1, 32>}, {transform_indices = @transform_6, window_bounds = array<i64: 8, 32>}]} {
    %get3A = arith.constant 0 : index
    %get3A_0 = arith.constant 0 : index
    %get3A_1 = arith.constant 0 : index
    %get3A_2 = vector.load %arg2[%get3A, %get3A_0, %get3A_1] : memref<2x1000x32xf32, #tpu.memory_space<vmem>>, vector<1x1000x32xf32>
    %get3A_3 = vector.shape_cast %get3A_2 : vector<1x1000x32xf32> to vector<1000x32xf32>
    %get3A_4 = arith.constant 1 : index
    %get3A_5 = arith.constant 0 : index
    %get3A_6 = arith.constant 0 : index
    %get3A_7 = vector.load %arg2[%get3A_4, %get3A_5, %get3A_6] : memref<2x1000x32xf32, #tpu.memory_space<vmem>>, vector<1x1000x32xf32>
    %get3A_8 = vector.shape_cast %get3A_7 : vector<1x1000x32xf32> to vector<1000x32xf32>
    %add3A = arith.addf %get3A_3, %get3A_8 : vector<1000x32xf32>
    %get3A_9 = arith.constant 0 : index
    %get3A_10 = arith.constant 0 : index
    %get3A_11 = arith.constant 0 : index
    %get3A_12 = vector.load %arg3[%get3A_9, %get3A_10, %get3A_11] : memref<1x1000x16xf32, #tpu.memory_space<vmem>>, vector<1x1000x16xf32>
    %get3A_13 = vector.shape_cast %get3A_12 : vector<1x1000x16xf32> to vector<1000x16xf32>
    %slice3A = vector.extract_strided_slice %get3A_13 {offsets = [0, 0], sizes = [1000, 1], strides = [1, 1]} : vector<1000x16xf32> to vector<1000x1xf32>
    %max3A = arith.constant 1.000000e+00 : f32
    %max3A_14 = vector.broadcast %max3A : f32 to vector<1000x1xf32>
    %max3A_15 = arith.maximumf %slice3A, %max3A_14 : vector<1000x1xf32>
    %rsqrt3A = math.rsqrt %max3A_15 : vector<1000x1xf32>
    %mul3A = vector.broadcast %rsqrt3A : vector<1000x1xf32> to vector<1000x32xf32>
    %mul3A_16 = arith.mulf %add3A, %mul3A : vector<1000x32xf32>
    %get3A_17 = arith.constant 0 : index
    %get3A_18 = arith.constant 0 : index
    %get3A_19 = vector.load %arg4[%get3A_17, %get3A_18] : memref<1x32xf32, #tpu.memory_space<vmem>>, vector<1x32xf32>
    %add3A_20 = vector.broadcast %get3A_19 : vector<1x32xf32> to vector<1000x32xf32>
    %add3A_21 = arith.addf %mul3A_16, %add3A_20 : vector<1000x32xf32>
    %get3A_22 = arith.constant 0 : index
    %get3A_23 = arith.constant 0 : index
    %get3A_24 = vector.load %arg5[%get3A_22, %get3A_23] : memref<1x32xf32, #tpu.memory_space<vmem>>, vector<1x32xf32>
    %mul3A_25 = vector.broadcast %get3A_24 : vector<1x32xf32> to vector<1000x32xf32>
    %mul3A_26 = arith.mulf %add3A_21, %mul3A_25 : vector<1000x32xf32>
    %get3A_27 = arith.constant 0 : index
    %get3A_28 = arith.constant 0 : index
    %get3A_29 = vector.load %arg6[%get3A_27, %get3A_28] : memref<1x32xf32, #tpu.memory_space<vmem>>, vector<1x32xf32>
    %add3A_30 = vector.broadcast %get3A_29 : vector<1x32xf32> to vector<1000x32xf32>
    %add3A_31 = arith.addf %mul3A_26, %add3A_30 : vector<1000x32xf32>
    %gt3A = arith.constant 0.000000e+00 : f32
    %gt3A_32 = vector.broadcast %gt3A : f32 to vector<1000x32xf32>
    %gt3A_33 = arith.cmpf ogt, %add3A_31, %gt3A_32 : vector<1000x32xf32>
    %mul3A_34 = arith.constant 0.00999999977 : f32
    %mul3A_35 = vector.broadcast %mul3A_34 : f32 to vector<1000x32xf32>
    %mul3A_36 = arith.mulf %mul3A_35, %add3A_31 : vector<1000x32xf32>
    %select_n3A = arith.select %gt3A_33, %add3A_31, %mul3A_36 : vector<1000x32xi1>, vector<1000x32xf32>
    %get3A_37 = arith.constant 0 : index
    %get3A_38 = arith.constant 0 : index
    %get3A_39 = vector.load %arg1[%get3A_37, %get3A_38] : memref<1000x32xf32, #tpu.memory_space<vmem>>, vector<1000x32xf32>
    %add3A_40 = arith.addf %get3A_39, %select_n3A : vector<1000x32xf32>
    %slice3A_41 = vector.extract_strided_slice %add3A_40 {offsets = [0, 0], sizes = [500, 32], strides = [1, 1]} : vector<1000x32xf32> to vector<500x32xf32>
    %reduce_sum3A = arith.constant dense<0.000000e+00> : vector<32xf32>
    %reduce_sum3A_42 = vector.multi_reduction <add>, %slice3A_41, %reduce_sum3A [0] : vector<500x32xf32> to vector<32xf32>
    %broadcast_in_dim3A = vector.shape_cast %reduce_sum3A_42 : vector<32xf32> to vector<1x32xf32>
    %slice3A_43 = vector.extract_strided_slice %add3A_40 {offsets = [500, 0], sizes = [500, 32], strides = [1, 1]} : vector<1000x32xf32> to vector<500x32xf32>
    %reduce_sum3A_44 = arith.constant dense<0.000000e+00> : vector<32xf32>
    %reduce_sum3A_45 = vector.multi_reduction <add>, %slice3A_43, %reduce_sum3A_44 [0] : vector<500x32xf32> to vector<32xf32>
    %broadcast_in_dim3A_46 = vector.shape_cast %reduce_sum3A_45 : vector<32xf32> to vector<1x32xf32>
    %broadcast_in_dim3A_47 = arith.constant 0.000000e+00 : f32
    %broadcast_in_dim3A_48 = vector.broadcast %broadcast_in_dim3A_47 : f32 to vector<6x32xf32>
    %concatenate3A = tpu.concatenate %broadcast_in_dim3A, %broadcast_in_dim3A_46, %broadcast_in_dim3A_48 in 0 : vector<1x32xf32>, vector<1x32xf32>, vector<6x32xf32> -> vector<8x32xf32>
    %mul3A_49 = arith.constant 2.000000e-03 : f32
    %mul3A_50 = vector.broadcast %mul3A_49 : f32 to vector<8x32xf32>
    %mul3A_51 = arith.mulf %concatenate3A, %mul3A_50 : vector<8x32xf32>
    %swap3A = arith.constant 0 : index
    %swap3A_52 = arith.constant 0 : index
    %swap3A_53 = vector.load %arg7[%swap3A, %swap3A_52] : memref<8x32xf32, #tpu.memory_space<vmem>>, vector<8x32xf32>
    tpu.vector_store %arg7[%swap3A, %swap3A_52], %mul3A_51 {strides = array<i32>} : memref<8x32xf32, #tpu.memory_space<vmem>>, vector<8x32xf32>,
    return
  }
  func.func @transform_0(%arg0: i32) -> (i32, i32) {
    %c0_i32 = arith.constant 0 : i32
    %c0_i32_0 = arith.constant 0 : i32
    return %arg0, %c0_i32 : i32, i32
  }
  func.func @transform_1(%arg0: i32) -> (i32, i32, i32) {
    %c0_i32 = arith.constant 0 : i32
    %c0_i32_0 = arith.constant 0 : i32
    %c0_i32_1 = arith.constant 0 : i32
    return %c0_i32, %arg0, %c0_i32_0 : i32, i32, i32
  }
  func.func @transform_2(%arg0: i32) -> (i32, i32, i32) {
    %c1_i32 = arith.constant 1 : i32
    %c0_i32 = arith.constant 0 : i32
    %c0_i32_0 = arith.constant 0 : i32
    return %c1_i32, %arg0, %c0_i32 : i32, i32, i32
  }
  func.func @transform_3(%arg0: i32) -> (i32, i32) {
    %c0_i32 = arith.constant 0 : i32
    %c0_i32_0 = arith.constant 0 : i32
    %c0_i32_1 = arith.constant 0 : i32
    return %c0_i32, %c0_i32_0 : i32, i32
  }
  func.func @transform_4(%arg0: i32) -> (i32, i32) {
    %c0_i32 = arith.constant 0 : i32
    %c0_i32_0 = arith.constant 0 : i32
    %c0_i32_1 = arith.constant 0 : i32
    return %c0_i32, %c0_i32_0 : i32, i32
  }
  func.func @transform_5(%arg0: i32) -> (i32, i32) {
    %c0_i32 = arith.constant 0 : i32
    %c0_i32_0 = arith.constant 0 : i32
    %c0_i32_1 = arith.constant 0 : i32
    return %c0_i32, %c0_i32_0 : i32, i32
  }
  func.func @transform_6(%arg0: i32) -> (i32, i32) {
    %c0_i32 = arith.constant 0 : i32
    %c0_i32_0 = arith.constant 0 : i32
    return %arg0, %c0_i32 : i32, i32
  }
}

module attributes {stable_mosaic.version = 14 : i64} {
  func.func @_mlp_body(%arg0: memref<100x32xf32, #tpu.memory_space<vmem>>, %arg1: memref<32x16xf32, #tpu.memory_space<vmem>>, %arg2: memref<1x16xf32, #tpu.memory_space<vmem>>, %arg3: memref<16x8xf32, #tpu.memory_space<vmem>>, %arg4: memref<1x8xf32, #tpu.memory_space<vmem>>, %arg5: memref<8x2xf32, #tpu.memory_space<vmem>>, %arg6: memref<1x2xf32, #tpu.memory_space<vmem>>, %arg7: memref<100x2xf32, #tpu.memory_space<vmem>>) attributes {dimension_semantics = [], scalar_prefetch = 0 : i64, scratch_operands = 0 : i64, tpu.core_type = #tpu.core_type<tc>} {
    %get3A = arith.constant 0 : index
    %get3A_0 = arith.constant 0 : index
    %get3A_1 = vector.load %arg0[%get3A, %get3A_0] : memref<100x32xf32, #tpu.memory_space<vmem>>, vector<100x32xf32>
    %get3A_2 = arith.constant 0 : index
    %get3A_3 = arith.constant 0 : index
    %get3A_4 = vector.load %arg1[%get3A_2, %get3A_3] : memref<32x16xf32, #tpu.memory_space<vmem>>, vector<32x16xf32>
    %dot_general3A = arith.constant dense<0.000000e+00> : vector<100x16xf32>
    %dot_general3A_5 = tpu.matmul %get3A_1, %get3A_4, %dot_general3A {dimension_numbers = #tpu.dot_dimension_numbers<[1], [0], [0], [1], [0, 0, 1, 1], [], []>, transpose_lhs_hint = false} : vector<100x32xf32>, vector<32x16xf32>, vector<100x16xf32> -> vector<100x16xf32>
    %get3A_6 = arith.constant 0 : index
    %get3A_7 = arith.constant 0 : index
    %get3A_8 = vector.load %arg2[%get3A_6, %get3A_7] : memref<1x16xf32, #tpu.memory_space<vmem>>, vector<1x16xf32>
    %add3A = vector.broadcast %get3A_8 : vector<1x16xf32> to vector<100x16xf32>
    %add3A_9 = arith.addf %dot_general3A_5, %add3A : vector<100x16xf32>
    %max3A = arith.constant 0.000000e+00 : f32
    %max3A_10 = vector.broadcast %max3A : f32 to vector<100x16xf32>
    %max3A_11 = arith.maximumf %add3A_9, %max3A_10 : vector<100x16xf32>
    %get3A_12 = arith.constant 0 : index
    %get3A_13 = arith.constant 0 : index
    %get3A_14 = vector.load %arg3[%get3A_12, %get3A_13] : memref<16x8xf32, #tpu.memory_space<vmem>>, vector<16x8xf32>
    %dot_general3A_15 = arith.constant dense<0.000000e+00> : vector<100x8xf32>
    %dot_general3A_16 = tpu.matmul %max3A_11, %get3A_14, %dot_general3A_15 {dimension_numbers = #tpu.dot_dimension_numbers<[1], [0], [0], [1], [0, 0, 1, 1], [], []>, transpose_lhs_hint = false} : vector<100x16xf32>, vector<16x8xf32>, vector<100x8xf32> -> vector<100x8xf32>
    %get3A_17 = arith.constant 0 : index
    %get3A_18 = arith.constant 0 : index
    %get3A_19 = vector.load %arg4[%get3A_17, %get3A_18] : memref<1x8xf32, #tpu.memory_space<vmem>>, vector<1x8xf32>
    %add3A_20 = vector.broadcast %get3A_19 : vector<1x8xf32> to vector<100x8xf32>
    %add3A_21 = arith.addf %dot_general3A_16, %add3A_20 : vector<100x8xf32>
    %max3A_22 = arith.constant 0.000000e+00 : f32
    %max3A_23 = vector.broadcast %max3A_22 : f32 to vector<100x8xf32>
    %max3A_24 = arith.maximumf %add3A_21, %max3A_23 : vector<100x8xf32>
    %get3A_25 = arith.constant 0 : index
    %get3A_26 = arith.constant 0 : index
    %get3A_27 = vector.load %arg5[%get3A_25, %get3A_26] : memref<8x2xf32, #tpu.memory_space<vmem>>, vector<8x2xf32>
    %dot_general3A_28 = arith.constant dense<0.000000e+00> : vector<100x2xf32>
    %dot_general3A_29 = tpu.matmul %max3A_24, %get3A_27, %dot_general3A_28 {dimension_numbers = #tpu.dot_dimension_numbers<[1], [0], [0], [1], [0, 0, 1, 1], [], []>, transpose_lhs_hint = false} : vector<100x8xf32>, vector<8x2xf32>, vector<100x2xf32> -> vector<100x2xf32>
    %get3A_30 = arith.constant 0 : index
    %get3A_31 = arith.constant 0 : index
    %get3A_32 = vector.load %arg6[%get3A_30, %get3A_31] : memref<1x2xf32, #tpu.memory_space<vmem>>, vector<1x2xf32>
    %add3A_33 = vector.broadcast %get3A_32 : vector<1x2xf32> to vector<100x2xf32>
    %add3A_34 = arith.addf %dot_general3A_29, %add3A_33 : vector<100x2xf32>
    %swap3A = arith.constant 0 : index
    %swap3A_35 = arith.constant 0 : index
    %swap3A_36 = vector.load %arg7[%swap3A, %swap3A_35] : memref<100x2xf32, #tpu.memory_space<vmem>>, vector<100x2xf32>
    tpu.vector_store %arg7[%swap3A, %swap3A_35], %add3A_34 {strides = array<i32>} : memref<100x2xf32, #tpu.memory_space<vmem>>, vector<100x2xf32>,
    return
  }
}

</mosaic_0001>

<sc_bundles>
// kernel: kernel.10.cloned.1.call-start
scs
__scs_entry_jumppad:
0x0: {  	(pc) =	sbr.rel $0x88, $3  }
0x1: {  	(tag) =	ssettag $0x0;
	lr =	simm.s32 $0x1  }
0x2: {  	[smem:$0x3F93] =	sst lr;
	_ =	strace $0xD0000000  }
0x3: {  	_ = 	snop  }
0x4: {  	_ = 	snop  }
0x5: {  	_ = 	snop  }
0x6: {  	_ = 	snop  }
0x7: {  	_ = 	snop  }
__scs_overlays_trampoline_lowered:
0x8: {  	[smem:$0x3FA2] =	sst s0  }
0x9: {  	[smem:$0x3FA3] =	sst s1  }
0xa: {  	[smem:$0x3FA4] =	sst s2  }
0xb: {  	[smem:$0x3FA5] =	sst s3  }
0xc: {  	[smem:$0x3FA6] =	sst s4  }
0xd: {  	[smem:$0x3FA7] =	sst s5  }
0xe: {  	[smem:$0x3FA8] =	sst s6  }
0xf: {  	[smem:$0x3FA9] =	sst s7  }
0x10: {  	[smem:$0x3FAA] =	sst s8  }
0x11: {  	[smem:$0x3FAB] =	sst s9;
	s0 =	simm.s32 @!p0 $0x0  }
0x12: {  	s1 =	sld [smem:$0x3F91];
	s0 =	simm.s32 @p0 $0x1  }
0x13: {  	[smem:$0x3FAC] =	sst s0;
	s0 =	simm.s32 @!p1 $0x0  }
0x14: {  	s2 =	sld [smem:$0x3F90];
	s0 =	simm.s32 @p1 $0x1  }
0x15: {  	[smem:$0x3FAD] =	sst s0;
	s0 =	simm.s32 @!p2 $0x0  }
0x16: {  	s3 =	sld [smem:$0x3FDB];
	s0 =	simm.s32 @p2 $0x1  }
0x17: {  	s4 =	simm.s32 $0x1BF5;
	[smem:$0x3FAF] =	sst s0  }
0x18: {  	s0 =	sld [smem:$0x3F92];
	_ =	swait.ge [sflag:s4], $0x0  }
0x19: {  	s7 =	sld [smem:$0x3F93]  }
0x1a: {  	s8 =	sadd.s32 $0xFFFFE003, lr  }
0x1b: {  	s9 =	sadd.s32 $0xFFFFFEF7, lr;
	s5 =	simm.s32 $0xFFFFFFFF;
	p2 =	slt.u32 s8, $0xFFFFF086  }
0x1c: {  	p1 =	slt.u32 s9, $0xF7A;
	s5 =	simm.s32 @!p2 $0x0  }
0x1d: {  	s5 =	simm.s32 @p1 $0x1;
	p0 =	seq.s32 s7, s2  }
0x1e: {  	s7 =	smul.u32 @!p0 $0xF7A, s2;
	p2 =	seq.s32 @!p0 s5, $0x0  }
0x1f: {  	s9 =	smul.u32 $0xF7A, s1;
	s8 =	simm.s32 @!p0 $0x1BF5;
	p2 =	por !p2, p0  }
0x20: {  	[sflag:s8] =	ssyncset.s32 @!p0 $0xFFFFF086;
	s6 =	sadd.s32 @!p0 s3, s7;
	s7 =	simm.s32 @!p0 $0x108  }
0x21: {  	s3 =	sadd.s32 s3, s9;
	s6 =	sadd.s32 @!p0 $0x88, s6;
	s7 =	simm.s32 @p2 $0x1082  }
0x22: {  	[simem:s7], [sflag:s8] =	dma.local @!p0 [hbm:s6], $0xF7A  }
0x23: {  	s9 =	sor.u32 $0xD0000000, s2;
	s6 =	simm.s32 $0x108;
	_ =	swait.ge @!p0 [sflag:s8], $0x0  }
0x24: {  	s3 =	sadd.s32 $0x88, s3;
	s6 =	simm.s32 @!p1 $0x1082;
	[sflag:s4] =	ssyncset.s32 $0xFFFFF086  }
0x25: {  	[simem:s6], [sflag:s4] =	dma.local [hbm:s3], $0xF7A  }
0x26: {  	[smem:$0x3F93] =	sst s1;
	(tag) =	ssettag s2;
	_ =	strace s9  }
0x27: {  	s1 =	sld [smem:$0x3FA3]  }
0x28: {  	s2 =	sld [smem:$0x3FA4]  }
0x29: {  	s4 =	sld [smem:$0x3FA6]  }
0x2a: {  	p0 =	seq.s32 s5, $0x0;
	s5 =	sld [smem:$0x3FA7]  }
0x2b: {  	s6 =	sld [smem:$0x3FA8]  }
0x2c: {  	s7 =	sld [smem:$0x3FA9]  }
0x2d: {  	s3 =	simm.s32 $0x108;
	s8 =	sld [smem:$0x3FAA]  }
0x2e: {  	s3 =	simm.s32 @!p0 $0x1082;
	s9 =	sld [smem:$0x3FAB]  }
0x2f: {  	lr =	sadd.s32 s0, s3;
	s0 =	sld [smem:$0x3FA2]  }
0x30: {  	s3 =	sld [smem:$0x3FA5]  }
0x31: {  	[smem:$0x3FAE] =	sst s10  }
0x32: {  	s10 =	sld [smem:$0x3FAC];
	_ =	sdelay $0x3  }
0x33: {  	p0 =	seq.s32 s10, $0x1;
	s10 =	sld [smem:$0x3FAE];
	_ =	sdelay $0x3  }
0x34: {  	[smem:$0x3FAE] =	sst s10  }
0x35: {  	s10 =	sld [smem:$0x3FAD];
	_ =	sdelay $0x3  }
0x36: {  	p1 =	seq.s32 s10, $0x1;
	s10 =	sld [smem:$0x3FAE];
	_ =	sdelay $0x3  }
0x37: {  	[smem:$0x3FAE] =	sst s10  }
0x38: {  	s10 =	sld [smem:$0x3FAF]  }
0x39: {  	_ = 	snop;
	(pc) =	sbr.ind lr, $3  }
0x3a: {  	_ = 	snop  }
0x3b: {  	_ = 	snop  }
0x3c: {  	p2 =	seq.s32 s10, $0x1;
	s10 =	sld [smem:$0x3FAE]  }
0x3d: {  	_ =	shalt  }
0x3e: {  	_ =	shalt  }
0x3f: {  	_ =	shalt  }
0x40: {  	_ =	shalt  }
0x41: {  	_ =	shalt  }
0x42: {  	_ =	shalt  }
0x43: {  	_ =	shalt  }
0x44: {  	_ =	shalt  }
0x45: {  	_ =	shalt  }
0x46: {  	_ =	shalt  }
0x47: {  	_ =	shalt  }
0x48: {  	_ =	shalt  }
0x49: {  	_ =	shalt  }
0x4a: {  	_ =	shalt  }
0x4b: {  	_ =	shalt  }
0x4c: {  	_ =	shalt  }
0x4d: {  	_ =	shalt  }
0x4e: {  	_ =	shalt  }
0x4f: {  	_ =	shalt  }
0x50: {  	_ =	shalt  }
0x51: {  	_ =	shalt  }
0x52: {  	_ =	shalt  }
0x53: {  	_ =	shalt  }
0x54: {  	_ =	shalt  }
0x55: {  	_ =	shalt  }
0x56: {  	_ =	shalt  }
0x57: {  	_ =	shalt  }
0x58: {  	_ =	shalt  }
0x59: {  	_ =	shalt  }
0x5a: {  	_ =	shalt  }
0x5b: {  	_ =	shalt  }
0x5c: {  	_ =	shalt  }
0x5d: {  	_ =	shalt  }
0x5e: {  	_ =	shalt  }
0x5f: {  	_ =	shalt  }
0x60: {  	_ =	shalt  }
0x61: {  	_ =	shalt  }
0x62: {  	_ =	shalt  }
0x63: {  	_ =	shalt  }
0x64: {  	_ =	shalt  }
0x65: {  	_ =	shalt  }
0x66: {  	_ =	shalt  }
0x67: {  	_ =	shalt  }
0x68: {  	_ =	shalt  }
0x69: {  	_ =	shalt  }
0x6a: {  	_ =	shalt  }
0x6b: {  	_ =	shalt  }
0x6c: {  	_ =	shalt  }
0x6d: {  	_ =	shalt  }
0x6e: {  	_ =	shalt  }
0x6f: {  	_ =	shalt  }
0x70: {  	_ =	shalt  }
0x71: {  	_ =	shalt  }
0x72: {  	_ =	shalt  }
0x73: {  	_ =	shalt  }
0x74: {  	_ =	shalt  }
0x75: {  	_ =	shalt  }
0x76: {  	_ =	shalt  }
0x77: {  	_ =	shalt  }
0x78: {  	_ =	shalt  }
0x79: {  	_ =	shalt  }
0x7a: {  	_ =	shalt  }
0x7b: {  	_ =	shalt  }
0x7c: {  	_ =	shalt  }
0x7d: {  	_ =	shalt  }
0x7e: {  	_ =	shalt  }
0x7f: {  	_ =	shalt  }
0x80: {  	_ =	shalt  }
0x81: {  	_ =	shalt  }
0x82: {  	_ =	shalt  }
0x83: {  	_ =	shalt  }
0x84: {  	_ =	shalt  }
0x85: {  	_ =	shalt  }
0x86: {  	_ =	shalt  }
0x87: {  	_ =	shalt  }
.Lfunc_end0:
.L_simem_size_0:
called_computation.1_lowered:
.L_overlay_start_0:
0x88: {  	s2 =	sld [smem:$0x3FD9]  }
0x89: {  	s3 =	sld [smem:$0x3FFE];
	_ =	sdelay $0x1  }
0x8a: {  	s1 =	srdreg.scid  }
0x8b: {  	s0 =	sand.u32 $0x1, s1  }
0x8c: {  	s16 =	sshll.u32 s0, $0xA;
	s2 =	sadd.s32 s3, s2  }
0x8d: {  	s2 =	sadd.s32 s2, s16  }
0x8e: {  	[smem:$0x3FBA] =	sst s2  }
0x8f: {  	_ = 	snop  }
0x90: {  	(tm) =	ssettm $0x1  }
0x91: {  	s17 =	sld [smem:$0x3FFB];
	_ =	sdelay $0x3  }
0x92: {  	_ =	strace s17  }
0x93: {  	s2 =	sld [smem:$0x3FFC];
	_ =	sdelay $0x3  }
0x94: {  	_ =	strace s2  }
0x95: {  	s2 =	sld [smem:$0x3FFD];
	_ =	sdelay $0x3  }
0x96: {  	_ =	strace s2  }
0x97: {  	_ =	strace $0x8FFFFFFF  }
0x98: {  	s18 =	sld [smem:$0x3FDB];
	_ =	sdelay $0x1  }
0x99: {  	s19 =	simm.s32 $_scs_section_size  }
0x9a: {  	s4 =	simm.s32 $_size__tile_overlayer_lowered;
	s5 =	simm.s32 $_tile_overlayer_lowered  }
0x9b: {  	s22 =	simm.s32 $0x1BFF;
	s21 =	sshll.u32 s5, $0x1;
	s2 =	sadd.s32 s19, s18  }
0x9c: {  	s6 =	simm.s32 $0x0;
	s20 =	sshll.u32 s4, $0x1;
	s4 =	sadd.s32 s21, s2  }
0x9d: {  	[timem:s6], [sflag:s22] =	dma.local [hbm:s4], s20  }
0x9e: {  	_ =	swait.ge [sflag:s22], s20  }
0x9f: {  	s3 =	ssub.s32 $0x0, s20;
	[sflag:s22] =	ssyncset.done $0x0  }
0xa0: {  	[sflag:s22] =	ssyncadd.s32 s3;
	_ =	sdelay $0x1  }
0xa1: {  	s23 =	simm.s32 $0x1B8B  }
0xa2: {  	_ =	swait.ge [sflag:s23], $0x1  }
0xa3: {  	[sflag:s23] =	ssyncset.done $0x0  }
0xa4: {  	s25 =	simm.s32 $0x1B8E;
	s24 =	sld [smem:$0x3FFE];
	[sflag:s23] =	ssyncadd.s32 $0xFFFFFFFF  }
0xa5: {  	s26 =	simm.s32 $execute0_lowered;
	[smem:$0x3FD2] =	sst s25  }
0xa6: {  	s4 =	sshll.u32 s26, $0x1;
	_ =	strace $0x80000049;
	[dreg:$0x1] =	wrdreg $0xFFFFFFFF  }
0xa7: {  	s28 =	simm.s32 $_size_execute0_lowered;
	s2 =	sadd.s32 s2, s4;
	[dreg:$0x0] =	wrdreg $0x0  }
0xa8: {  	s4 =	sshll.u32 s28, $0x1;
	[dreg:$0x2] =	wrdreg s2  }
0xa9: {  	[dreg:$0x3] =	wrdreg s4  }
0xaa: {  	[dreg:$0x4] =	wrdreg $0xC0  }
0xab: {  	_ =	task [dreg:s6], $0x5FFFF  }
0xac: {  	[dreg:$0x1] =	wrdreg $0xFFFFFFFF  }
0xad: {  	[dreg:$0x0] =	wrdreg $0x60  }
0xae: {  	[dreg:$0x2] =	wrdreg s24  }
0xaf: {  	[dreg:$0x3] =	wrdreg $0x0  }
0xb0: {  	[dreg:$0x4] =	wrdreg $0x9  }
0xb1: {  	_ =	task.clear_ibuf [dreg:s6], $0x5FFFF;
	_ =	strace $0x90000049  }
0xb2: {  	s29 =	simm.s32 $0x9;
	_ =	strace $0x8000004B  }
0xb3: {  	_ =	swait.ge [sflag:s29], $0x1  }
0xb4: {  	[sflag:s29] =	ssyncadd.s32 $0xFFFFFFFF  }
0xb5: {  	_ =	strace $0x9000004B  }
0xb6: {  	_ =	sfence  }
0xb7: {  	s30 =	sld [smem:$0x0];
	_ =	sdelay $0x2  }
0xb8: {  	s31 =	sshll.u32 s1, $0xD;
	s1 =	sshrl.u32 s1, $0x2  }
0xb9: {  	s3 =	sand.u32 $0x4000, s31;
	s1 =	sadd.s32 s1, s30  }
0xba: {  	s0 =	sor.u32 s3, s0;
	s1 =	sshll.u32 s1, $0x11  }
0xbb: {  	s0 =	sor.u32 s1, s0  }
0xbc: {  	s0 =	sadd.s32 $0x8F2B, s0  }
0xbd: {  	[sflag:s0] =	ssyncadd.remote.s32 $0x1  }
0xbe: {  	_ =	sfence.sel $0xFFFF  }
0xbf: {  	[dreg:$0x0] =	wrdreg $0xFFFFFFFF;
	(pc) =	sbr.abs _section_cstart, $3  }
0xc0: {  	[dreg:$0x1] =	wrdreg $0xFFFFFFFF  }
0xc1: {  	_ =	task.clear_ibuf [dreg:s6], $0x2FFFF;
	_ =	strace $0x9FFFFFFF  }
0xc2: {  	(tm) =	ssettm $0x7FFFFFFF  }
0xc3: {  	_ =	shalt  }
tec
execute0_lowered:
.L_overlay_start_1:
0x0: {  	(tag) =	ssettag $0x1  }
0x1: {  	s0 =	rddreg [dreg:$0x0]  }
0x2: {  	s2 =	rddreg [dreg:$0x1];
	s3 =	simm.s32 $0x0;
	s13 =	stileid.u32  }
0x3: {  	s1 =	srdreg.scid;
	s30 =	simm.s32 $0x1;
	[smem:$0x7FF] =	sst s3  }
0x4: {  	s6 =	smul.u32 $0x186A0, s13;
	s1 =	sand.u32 $0x1, s1;
	s4 =	sadd.s32 $0x32A00, s0  }
0x5: {  	s7 =	sadd.s32 $0x1A200, s0;
	s9 =	sadd.s32 $0x1A00, s0;
	s12 =	sshll.u32 s13, $0x1  }
0x6: {  	s17 =	sshll.u32 s13, $0x6;
	s29 =	sshll.u32 s13, $0x5;
	_ =	strace $0x8000004A  }
0x7: {  	s5 =	smul.u32 $0x186A00, s1;
	s10 =	ssub.s32 $0x2, s1;
	s26 =	ssub.s32 $0x180A, s12  }
0x8: {  	s31 =	sadd.s32 s29, s9;
	s8 =	sshrl.u32 s6, $0x3;
	s11 =	sshrl.u32 s10, $0x1  }
0x9: {  	[dreg:$0x3] =	wrdreg s26;
	s8 =	sadd.s32 s8, s0;
	s5 =	sadd.s32 s6, s5  }
0xa: {  	s10 =	ssub.s32 s10, s11;
	s6 =	sadd.s32 s6, s2;
	s5 =	sshrl.u32 s5, $0x3  }
0xb: {  	[dreg:$0x4] =	wrdreg s6;
	s8 =	sadd.s32 $0x202C00, s8;
	s28 =	smax.u32 s10, $0x1  }
0xc: {  	s0 =	sadd.s32 s5, s0;
	s5 =	sor.u32 s1, s12;
	[dreg:$0x5] =	wrdreg s8  }
0xd: {  	s8 =	sor.u32 $0x1C11, s17;
	[dreg:$0x10] =	wrdreg s28;
	s1 =	sshll.u32 s1, $0x4  }
0xe: {  	s18 =	sshll.u32 s5, $0x4;
	s0 =	sadd.s32 $0x233A00, s0;
	[dreg:$0x6] =	wrdreg s8  }
0xf: {  	s19 =	sor.u32 $0x200, s18;
	s14 =	sadd.s32 s7, s18;
	[dreg:$0xf] =	wrdreg s0  }
0x10: {  	s20 =	sadd.s32 s9, s18;
	s22 =	sor.u32 $0x400, s18;
	[dreg:$0x7] =	wrdreg s14  }
0x11: {  	s11 =	sor.u32 $0x600, s18;
	[dreg:$0x8] =	wrdreg s20;
	s21 =	sadd.s32 s7, s19  }
0x12: {  	s0 =	sadd.s32 s29, s7;
	s6 =	sadd.s32 s9, s19;
	[dreg:$0x9] =	wrdreg s21  }
0x13: {  	s23 =	sadd.s32 s7, s22;
	s24 =	sadd.s32 s7, s11;
	[dreg:$0xa] =	wrdreg s6  }
0x14: {  	s25 =	sadd.s32 s9, s11;
	s19 =	sadd.s32 s1, s31;
	[dreg:$0xb] =	wrdreg s23  }
0x15: {  	s20 =	sadd.s32 s1, s0;
	s7 =	simm.s32 $0x0;
	[dreg:$0xd] =	wrdreg s24  }
0x16: {  	s6 =	sadd.s32 s9, s22;
	[dreg:$0xe] =	wrdreg s25;
	s21 =	simm.s32 $0x11  }
0x17: {  	s25 =	simm.s32 $0x2;
	[dreg:$0xc] =	wrdreg s6;
	s6 =	simm.s32 $0x3  }
.LBB2_1:
0x18: {  	s0 =	rddreg [dreg:$0x4]  }
0x19: {  	s13 =	rddreg [dreg:$0x5];
	s9 =	sshrl.u32 s0, $0x3  }
0x1a: {  	[spmem:s9], [sflag:s8] =	dma.local [hbm:s13], $0x30D4  }
0x1b: {  	_ =	swait.ge [sflag:s21], $0x30D4  }
0x1c: {  	[sflag:s21] =	ssyncset.done $0x0  }
0x1d: {  	[sflag:s21] =	ssyncadd.s32 $0xFFFFCF2C  }
0x1e: {  	[bflag:$0x0] =	sbarrier.arrive $0xFFFF  }
0x1f: {  	s1 =	simm.s32 $0x186A0;
	s14 =	rddreg [dreg:$0x7]  }
0x20: {  	[tilespmem:s1], [sflag:$0x9] =	stream.linear.gather [hbm4b:s14+s3], $0x80, $0x38;
	[tilespmem:$0x1CAA0] =	vst v63  }
0x21: {  	s16 =	simm.s32 $0x188A0;
	s15 =	rddreg [dreg:$0x8]  }
0x22: {  	[tilespmem:s16], [sflag:$0xD] =	stream.linear.gather [hbm4b:s15+s3], $0x80, $0x38;
	[tilespmem:$0x1CAA0] =	vst v63  }
0x23: {  	s18 =	simm.s32 $0x18720;
	s17 =	rddreg [dreg:$0x9]  }
0x24: {  	[tilespmem:s18], [sflag:$0xA] =	stream.linear.gather [hbm4b:s17+s3], $0x80, $0x38;
	[tilespmem:$0x1CAA0] =	vst v63  }
0x25: {  	s10 =	simm.s32 $0x18920;
	s22 =	rddreg [dreg:$0xa]  }
0x26: {  	[tilespmem:s10], [sflag:$0xE] =	stream.linear.gather [hbm4b:s22+s3], $0x80, $0x38;
	[tilespmem:$0x1CAA0] =	vst v63  }
0x27: {  	s24 =	simm.s32 $0x187A0;
	s23 =	rddreg [dreg:$0xb]  }
0x28: {  	[tilespmem:s24], [sflag:$0xB] =	stream.linear.gather [hbm4b:s23+s3], $0x80, $0x38;
	[tilespmem:$0x1CAA0] =	vst v63  }
0x29: {  	s11 =	simm.s32 $0x189A0;
	s26 =	rddreg [dreg:$0xc]  }
0x2a: {  	[tilespmem:s11], [sflag:$0xF] =	stream.linear.gather [hbm4b:s26+s3], $0x80, $0x38;
	[tilespmem:$0x1CAA0] =	vst v63  }
0x2b: {  	s29 =	simm.s32 $0x18820;
	s28 =	rddreg [dreg:$0xd]  }
0x2c: {  	[tilespmem:s29], [sflag:$0xC] =	stream.linear.gather [hbm4b:s28+s3], $0x80, $0x38;
	[tilespmem:$0x1CAA0] =	vst v63  }
0x2d: {  	s12 =	simm.s32 $0x18A20;
	s31 =	rddreg [dreg:$0xe]  }
0x2e: {  	[tilespmem:s12], [sflag:$0x10] =	stream.linear.gather [hbm4b:s31+s3], $0x80, $0x38;
	[tilespmem:$0x1CAA0] =	vst v63  }
0x2f: {  	s12 =	simm.s32 $0x9  }
0x30: {  	_ =	swait.ge [sflag:s12], $0x80  }
0x31: {  	s13 =	simm.s32 $0x80;
	[sflag:s12] =	ssyncset.done $0x0  }
0x32: {  	s14 =	simm.s32 $0x18AA0;
	s15 =	simm.s32 $0xA;
	[sflag:s12] =	ssyncadd.s32 $0xFFFFFF80  }
0x33: {  	[tilespmem:s14], [sflag:$0x1] =	stream.indirect.gather [hbm4b:s4+s13], $0x20, s1, s13, $0xb8;
	[tilespmem:$0x1CAA0] =	vst v63  }
0x34: {  	_ =	swait.ge [sflag:s15], $0x80  }
0x35: {  	[sflag:s15] =	ssyncset.done $0x0  }
0x36: {  	s16 =	simm.s32 $0x19AA0;
	s17 =	simm.s32 $0xB;
	[sflag:s15] =	ssyncadd.s32 $0xFFFFFF80  }
0x37: {  	[tilespmem:s16], [sflag:$0x2] =	stream.indirect.gather [hbm4b:s4+s13], $0x20, s18, s13, $0xb8;
	[tilespmem:$0x1CAA0] =	vst v63  }
0x38: {  	_ =	swait.ge [sflag:s17], $0x80  }
0x39: {  	[sflag:s17] =	ssyncset.done $0x0  }
0x3a: {  	s22 =	simm.s32 $0xC;
	s18 =	simm.s32 $0x1AAA0;
	[sflag:s17] =	ssyncadd.s32 $0xFFFFFF80  }
0x3b: {  	[tilespmem:s18], [sflag:$0x3] =	stream.indirect.gather [hbm4b:s4+s13], $0x20, s24, s13, $0xb8;
	[tilespmem:$0x1CAA0] =	vst v63  }
0x3c: {  	_ =	swait.ge [sflag:s22], $0x80  }
0x3d: {  	[sflag:s22] =	ssyncset.done $0x0  }
0x3e: {  	s23 =	simm.s32 $0x1BAA0;
	s24 =	sadd.s32 $0x0, s5;
	[sflag:s22] =	ssyncadd.s32 $0xFFFFFF80  }
0x3f: {  	[tilespmem:s23], [sflag:$0x4] =	stream.indirect.gather [hbm4b:s4+s13], $0x20, s29, s13, $0xb8;
	[tilespmem:$0x1CAA0] =	vst v63  }
0x40: {  	s26 =	sadd.s32 $0x80, s24;
	_ =	swait.ge [sflag:s30], $0x1000  }
0x41: {  	p0 =	sgt.u32 s26, $0x1869;
	[sflag:s30] =	ssyncset.done $0x0  }
0x42: {  	s11 =	simm.s32 @p0 $0xD;
	[sflag:s30] =	ssyncadd.s32 $0xFFFFF000  }
0x43: {  	_ =	swait.ge @p0 [sflag:s11], $0x80  }
0x44: {  	s12 =	simm.s32 @p0 $0x18AA0;
	s14 =	simm.s32 @p0 $0x80;
	[sflag:s11] =	ssyncset.done @p0 $0x0  }
0x45: {  	s15 =	simm.s32 @p0 $0x188A0;
	s13 =	simm.s32 @p0 $0x5;
	[sflag:s11] =	ssyncadd.s32 @p0 $0xFFFFFF80  }
0x46: {  	[spmem:s2] =	stream.indirect.scatter.add.f32 @p0 [tilespmem:s12], [sflag:$0x5], $0x20, s15, s14, $0xb8;
	[tilespmem:$0x1CAA0] =	vst v63  }
0x47: {  	s11 =	sadd.s32 @!p0 $0x0, s20;
	_ =	swait.ge @p0 [sflag:s13], $0x1000  }
0x48: {  	s11 =	sadd.s32 @!p0 $0x800, s11;
	s12 =	simm.s32 @!p0 $0xD;
	[sflag:s13] =	ssyncset.done @p0 $0x0  }
0x49: {  	s14 =	simm.s32 @!p0 $0x0;
	s15 =	simm.s32 @!p0 $0x186A0;
	[sflag:s13] =	ssyncadd.s32 @p0 $0xFFFFF000  }
0x4a: {  	[tilespmem:s15], [sflag:$0x9] =	stream.linear.gather @!p0 [hbm4b:s11+s14], $0x80, $0x38;
	[tilespmem:$0x1CAA0] =	vst v63  }
0x4b: {  	_ =	swait.ge @!p0 [sflag:s12], $0x80  }
0x4c: {  	s16 =	simm.s32 @!p0 $0x80;
	s17 =	simm.s32 @!p0 $0x188A0;
	[sflag:s12] =	ssyncset.done @!p0 $0x0  }
0x4d: {  	s13 =	simm.s32 @!p0 $0x5;
	s11 =	simm.s32 @!p0 $0x18AA0;
	[sflag:s12] =	ssyncadd.s32 @!p0 $0xFFFFFF80  }
0x4e: {  	[spmem:s2] =	stream.indirect.scatter.add.f32 @!p0 [tilespmem:s11], [sflag:$0x5], $0x20, s17, s16, $0xb8;
	[tilespmem:$0x1CAA0] =	vst v63  }
0x4f: {  	_ =	swait.ge @!p0 [sflag:s13], $0x1000  }
0x50: {  	s12 =	sadd.s32 @!p0 $0x0, s19;
	[sflag:s13] =	ssyncset.done @!p0 $0x0  }
0x51: {  	s18 =	simm.s32 @!p0 $0x9;
	s12 =	sadd.s32 @!p0 $0x800, s12;
	[sflag:s13] =	ssyncadd.s32 @!p0 $0xFFFFF000  }
0x52: {  	[tilespmem:s17], [sflag:$0xD] =	stream.linear.gather @!p0 [hbm4b:s12+s14], $0x80, $0x38;
	[tilespmem:$0x1CAA0] =	vst v63  }
0x53: {  	_ =	swait.ge @!p0 [sflag:s18], $0x80  }
0x54: {  	[sflag:s18] =	ssyncset.done @!p0 $0x0  }
0x55: {  	[sflag:s18] =	ssyncadd.s32 @!p0 $0xFFFFFF80  }
0x56: {  	[tilespmem:s11], [sflag:$0x1] =	stream.indirect.gather @!p0 [hbm4b:s4+s16], $0x20, s15, s16, $0xb8;
	[tilespmem:$0x1CAA0] =	vst v63  }
0x57: {  	s28 =	sadd.s32 $0xA0, s24;
	_ =	swait.ge [sflag:s25], $0x1000  }
0x58: {  	p0 =	sgt.u32 s28, $0x1869;
	[sflag:s25] =	ssyncset.done $0x0  }
0x59: {  	s11 =	simm.s32 @p0 $0xE;
	[sflag:s25] =	ssyncadd.s32 $0xFFFFF000  }
0x5a: {  	_ =	swait.ge @p0 [sflag:s11], $0x80  }
0x5b: {  	s12 =	simm.s32 @p0 $0x19AA0;
	s13 =	simm.s32 @p0 $0x6;
	[sflag:s11] =	ssyncset.done @p0 $0x0  }
0x5c: {  	s14 =	simm.s32 @p0 $0x80;
	s15 =	simm.s32 @p0 $0x18920;
	[sflag:s11] =	ssyncadd.s32 @p0 $0xFFFFFF80  }
0x5d: {  	[spmem:s2] =	stream.indirect.scatter.add.f32 @p0 [tilespmem:s12], [sflag:$0x6], $0x20, s15, s14, $0xb8;
	[tilespmem:$0x1CAA0] =	vst v63  }
0x5e: {  	s11 =	sadd.s32 @!p0 $0x0, s20;
	_ =	swait.ge @p0 [sflag:s13], $0x1000  }
0x5f: {  	s11 =	sadd.s32 @!p0 $0xA00, s11;
	s12 =	simm.s32 @!p0 $0xE;
	[sflag:s13] =	ssyncset.done @p0 $0x0  }
0x60: {  	s14 =	simm.s32 @!p0 $0x0;
	s15 =	simm.s32 @!p0 $0x18720;
	[sflag:s13] =	ssyncadd.s32 @p0 $0xFFFFF000  }
0x61: {  	[tilespmem:s15], [sflag:$0xA] =	stream.linear.gather @!p0 [hbm4b:s11+s14], $0x80, $0x38;
	[tilespmem:$0x1CAA0] =	vst v63  }
0x62: {  	_ =	swait.ge @!p0 [sflag:s12], $0x80  }
0x63: {  	s16 =	simm.s32 @!p0 $0x80;
	s17 =	simm.s32 @!p0 $0x18920;
	[sflag:s12] =	ssyncset.done @!p0 $0x0  }
0x64: {  	s13 =	simm.s32 @!p0 $0x6;
	s11 =	simm.s32 @!p0 $0x19AA0;
	[sflag:s12] =	ssyncadd.s32 @!p0 $0xFFFFFF80  }
0x65: {  	[spmem:s2] =	stream.indirect.scatter.add.f32 @!p0 [tilespmem:s11], [sflag:$0x6], $0x20, s17, s16, $0xb8;
	[tilespmem:$0x1CAA0] =	vst v63  }
0x66: {  	_ =	swait.ge @!p0 [sflag:s13], $0x1000  }
0x67: {  	s12 =	sadd.s32 @!p0 $0x0, s19;
	[sflag:s13] =	ssyncset.done @!p0 $0x0  }
0x68: {  	s18 =	simm.s32 @!p0 $0xA;
	s12 =	sadd.s32 @!p0 $0xA00, s12;
	[sflag:s13] =	ssyncadd.s32 @!p0 $0xFFFFF000  }
0x69: {  	[tilespmem:s17], [sflag:$0xE] =	stream.linear.gather @!p0 [hbm4b:s12+s14], $0x80, $0x38;
	[tilespmem:$0x1CAA0] =	vst v63  }
0x6a: {  	_ =	swait.ge @!p0 [sflag:s18], $0x80  }
0x6b: {  	[sflag:s18] =	ssyncset.done @!p0 $0x0  }
0x6c: {  	[sflag:s18] =	ssyncadd.s32 @!p0 $0xFFFFFF80  }
0x6d: {  	[tilespmem:s11], [sflag:$0x2] =	stream.indirect.gather @!p0 [hbm4b:s4+s16], $0x20, s15, s16, $0xb8;
	[tilespmem:$0x1CAA0] =	vst v63  }
0x6e: {  	s29 =	sadd.s32 $0xC0, s24;
	_ =	swait.ge [sflag:s6], $0x1000  }
0x6f: {  	p0 =	sgt.u32 s29, $0x1869;
	[sflag:s6] =	ssyncset.done $0x0  }
0x70: {  	s11 =	simm.s32 @p0 $0xF;
	[sflag:s6] =	ssyncadd.s32 $0xFFFFF000  }
0x71: {  	_ =	swait.ge @p0 [sflag:s11], $0x80  }
0x72: {  	s12 =	simm.s32 @p0 $0x189A0;
	s13 =	simm.s32 @p0 $0x1AAA0;
	[sflag:s11] =	ssyncset.done @p0 $0x0  }
0x73: {  	s14 =	simm.s32 @p0 $0x80;
	s15 =	simm.s32 @p0 $0x7;
	[sflag:s11] =	ssyncadd.s32 @p0 $0xFFFFFF80  }
0x74: {  	[spmem:s2] =	stream.indirect.scatter.add.f32 @p0 [tilespmem:s13], [sflag:$0x7], $0x20, s12, s14, $0xb8;
	[tilespmem:$0x1CAA0] =	vst v63  }
0x75: {  	s11 =	sadd.s32 @!p0 $0x0, s20;
	_ =	swait.ge @p0 [sflag:s15], $0x1000  }
0x76: {  	s11 =	sadd.s32 @!p0 $0xC00, s11;
	s12 =	simm.s32 @!p0 $0xF;
	[sflag:s15] =	ssyncset.done @p0 $0x0  }
0x77: {  	s13 =	simm.s32 @!p0 $0x0;
	s14 =	simm.s32 @!p0 $0x187A0;
	[sflag:s15] =	ssyncadd.s32 @p0 $0xFFFFF000  }
0x78: {  	[tilespmem:s14], [sflag:$0xB] =	stream.linear.gather @!p0 [hbm4b:s11+s13], $0x80, $0x38;
	[tilespmem:$0x1CAA0] =	vst v63  }
0x79: {  	_ =	swait.ge @!p0 [sflag:s12], $0x80  }
0x7a: {  	s16 =	simm.s32 @!p0 $0x80;
	s17 =	simm.s32 @!p0 $0x189A0;
	[sflag:s12] =	ssyncset.done @!p0 $0x0  }
0x7b: {  	s15 =	simm.s32 @!p0 $0x7;
	s11 =	simm.s32 @!p0 $0x1AAA0;
	[sflag:s12] =	ssyncadd.s32 @!p0 $0xFFFFFF80  }
0x7c: {  	[spmem:s2] =	stream.indirect.scatter.add.f32 @!p0 [tilespmem:s11], [sflag:$0x7], $0x20, s17, s16, $0xb8;
	[tilespmem:$0x1CAA0] =	vst v63  }
0x7d: {  	_ =	swait.ge @!p0 [sflag:s15], $0x1000  }
0x7e: {  	s12 =	sadd.s32 @!p0 $0x0, s19;
	[sflag:s15] =	ssyncset.done @!p0 $0x0  }
0x7f: {  	s18 =	simm.s32 @!p0 $0xB;
	s12 =	sadd.s32 @!p0 $0xC00, s12;
	[sflag:s15] =	ssyncadd.s32 @!p0 $0xFFFFF000  }
0x80: {  	[tilespmem:s17], [sflag:$0xF] =	stream.linear.gather @!p0 [hbm4b:s12+s13], $0x80, $0x38;
	[tilespmem:$0x1CAA0] =	vst v63  }
0x81: {  	_ =	swait.ge @!p0 [sflag:s18], $0x80  }
0x82: {  	[sflag:s18] =	ssyncset.done @!p0 $0x0  }
0x83: {  	s31 =	rddreg [dreg:$0x3];
	[sflag:s18] =	ssyncadd.s32 @!p0 $0xFFFFFF80  }
0x84: {  	[tilespmem:s11], [sflag:$0x3] =	stream.indirect.gather @!p0 [hbm4b:s4+s16], $0x20, s14, s16, $0xb8;
	[tilespmem:$0x1CAA0] =	vst v63  }
0x85: {  	s10 =	sadd.s32 $0xE0, s24;
	p0 =	sle.u32 s31, $0x0  }
0x86: {  	p1 =	sgt.u32 s10, $0x1869;
	s11 =	simm.s32 @!p0 $0x4  }
0x87: {  	s10 =	simm.s32 $0x800;
	s12 =	sadd.s32 @!p1 $0x0, s20;
	_ =	swait.ge @!p0 [sflag:s11], $0x1000  }
0x88: {  	s22 =	simm.s32 @!p1 $0x18820;
	s12 =	sadd.s32 @!p1 $0xE00, s12;
	[sflag:s11] =	ssyncset.done @!p0 $0x0  }
0x89: {  	s16 =	simm.s32 @!p1 $0x0;
	s14 =	simm.s32 @!p0 $0x10;
	[sflag:s11] =	ssyncadd.s32 @!p0 $0xFFFFF000  }
0x8a: {  	[tilespmem:s22], [sflag:$0xC] =	stream.linear.gather @!p1 [hbm4b:s12+s16], $0x80, $0x38;
	[tilespmem:$0x1CAA0] =	vst v63  }
0x8b: {  	s26 =	simm.s32 @!p1 $0x80;
	s24 =	simm.s32 @!p1 $0x1BAA0;
	_ =	swait.ge @!p0 [sflag:s14], $0x80  }
0x8c: {  	s17 =	simm.s32 @!p0 $0x8;
	s15 =	simm.s32 @!p0 $0x80;
	[sflag:s14] =	ssyncset.done @!p0 $0x0  }
0x8d: {  	s18 =	simm.s32 @!p0 $0x18A20;
	s12 =	simm.s32 @!p0 $0x1BAA0;
	[sflag:s14] =	ssyncadd.s32 @!p0 $0xFFFFFF80  }
0x8e: {  	[spmem:s2] =	stream.indirect.scatter.add.f32 @!p0 [tilespmem:s12], [sflag:$0x8], $0x20, s18, s15, $0xb8;
	[tilespmem:$0x1CAA0] =	vst v63  }
0x8f: {  	s13 =	sadd.s32 $0x80, s5;
	s11 =	simm.s32 $0x80;
	_ =	swait.ge @!p0 [sflag:s17], $0x1000  }
0x90: {  	s12 =	sadd.s32 @!p1 $0x0, s19;
	s18 =	simm.s32 @!p1 $0x18A20;
	[sflag:s17] =	ssyncset.done @!p0 $0x0  }
0x91: {  	s12 =	sadd.s32 @!p1 $0xE00, s12;
	[sflag:s17] =	ssyncadd.s32 @!p0 $0xFFFFF000;
	s17 =	simm.s32 @!p1 $0xC  }
0x92: {  	[tilespmem:s18], [sflag:$0x10] =	stream.linear.gather @!p1 [hbm4b:s12+s16], $0x80, $0x38;
	[tilespmem:$0x1CAA0] =	vst v63  }
0x93: {  	s14 =	sadd.s32 $0xA0, s13;
	s15 =	simm.s32 $0x1000;
	_ =	swait.ge @!p1 [sflag:s17], $0x80  }
0x94: {  	s12 =	sadd.s32 $0xE0, s13;
	s16 =	simm.s32 $0x100;
	[sflag:s17] =	ssyncset.done @!p1 $0x0  }
.LBB2_2:
0x95: {  	[sflag:s17] =	ssyncadd.s32 @!p1 $0xFFFFFF80  }
0x96: {  	[tilespmem:s24], [sflag:$0x4] =	stream.indirect.gather @!p1 [hbm4b:s4+s26], $0x20, s22, s26, $0xb8;
	[tilespmem:$0x1CAA0] =	vst v63  }
0x97: {  	s29 =	sadd.s32 $0x80, s13;
	_ =	swait.ge [sflag:s30], $0x1000  }
0x98: {  	p1 =	sgt.u32 s29, $0x1869;
	[sflag:s30] =	ssyncset.done $0x0  }
0x99: {  	s22 =	simm.s32 @p1 $0xD;
	[sflag:s30] =	ssyncadd.s32 $0xFFFFF000  }
0x9a: {  	_ =	swait.ge @p1 [sflag:s22], $0x80  }
0x9b: {  	s31 =	simm.s32 @p1 $0x18AA0;
	s23 =	simm.s32 @p1 $0x5;
	[sflag:s22] =	ssyncset.done @p1 $0x0  }
0x9c: {  	s28 =	simm.s32 @p1 $0x80;
	s1 =	simm.s32 @p1 $0x188A0;
	[sflag:s22] =	ssyncadd.s32 @p1 $0xFFFFFF80  }
0x9d: {  	[spmem:s2] =	stream.indirect.scatter.add.f32 @p1 [tilespmem:s31], [sflag:$0x5], $0x20, s1, s28, $0xb8;
	[tilespmem:$0x1CAA0] =	vst v63  }
0x9e: {  	s26 =	sadd.s32 @!p1 s10, s20;
	_ =	swait.ge @p1 [sflag:s23], $0x1000  }
0x9f: {  	s26 =	sadd.s32 @!p1 $0x800, s26;
	s1 =	simm.s32 @!p1 $0xD;
	[sflag:s23] =	ssyncset.done @p1 $0x0  }
0xa0: {  	s28 =	simm.s32 @!p1 $0x0;
	s31 =	simm.s32 @!p1 $0x186A0;
	[sflag:s23] =	ssyncadd.s32 @p1 $0xFFFFF000  }
0xa1: {  	[tilespmem:s31], [sflag:$0x9] =	stream.linear.gather @!p1 [hbm4b:s26+s28], $0x80, $0x38;
	[tilespmem:$0x1CAA0] =	vst v63  }
0xa2: {  	_ =	swait.ge @!p1 [sflag:s1], $0x80  }
0xa3: {  	s8 =	simm.s32 @!p1 $0x80;
	s0 =	simm.s32 @!p1 $0x188A0;
	[sflag:s1] =	ssyncset.done @!p1 $0x0  }
0xa4: {  	s23 =	simm.s32 @!p1 $0x18AA0;
	s26 =	simm.s32 @!p1 $0x5;
	[sflag:s1] =	ssyncadd.s32 @!p1 $0xFFFFFF80  }
0xa5: {  	[spmem:s2] =	stream.indirect.scatter.add.f32 @!p1 [tilespmem:s23], [sflag:$0x5], $0x20, s0, s8, $0xb8;
	[tilespmem:$0x1CAA0] =	vst v63  }
0xa6: {  	_ =	swait.ge @!p1 [sflag:s26], $0x1000  }
0xa7: {  	s29 =	sadd.s32 @!p1 s10, s19;
	[sflag:s26] =	ssyncset.done @!p1 $0x0  }
0xa8: {  	s29 =	sadd.s32 @!p1 $0x800, s29;
	s1 =	simm.s32 @!p1 $0x9;
	[sflag:s26] =	ssyncadd.s32 @!p1 $0xFFFFF000  }
0xa9: {  	[tilespmem:s0], [sflag:$0xD] =	stream.linear.gather @!p1 [hbm4b:s29+s28], $0x80, $0x38;
	[tilespmem:$0x1CAA0] =	vst v63  }
0xaa: {  	_ =	swait.ge @!p1 [sflag:s1], $0x80  }
0xab: {  	[sflag:s1] =	ssyncset.done @!p1 $0x0  }
0xac: {  	[sflag:s1] =	ssyncadd.s32 @!p1 $0xFFFFFF80  }
0xad: {  	[tilespmem:s23], [sflag:$0x1] =	stream.indirect.gather @!p1 [hbm4b:s4+s8], $0x20, s31, s8, $0xb8;
	[tilespmem:$0x1CAA0] =	vst v63  }
0xae: {  	_ =	swait.ge [sflag:s25], $0x1000  }
0xaf: {  	s18 =	sadd.s32 s16, s5;
	p1 =	sgt.u32 s14, $0x1869;
	[sflag:s25] =	ssyncset.done $0x0  }
0xb0: {  	s24 =	sadd.s32 $0xA0, s18;
	s0 =	simm.s32 @p1 $0xE;
	[sflag:s25] =	ssyncadd.s32 $0xFFFFF000  }
0xb1: {  	s14 =	smov.u32 s24;
	s1 =	sadd.s32 @!p1 s10, s20;
	_ =	swait.ge @p1 [sflag:s0], $0x80  }
0xb2: {  	s23 =	simm.s32 @p1 $0x19AA0;
	s24 =	simm.s32 @p1 $0x6;
	[sflag:s0] =	ssyncset.done @p1 $0x0  }
0xb3: {  	s26 =	simm.s32 @p1 $0x80;
	s28 =	simm.s32 @p1 $0x18920;
	[sflag:s0] =	ssyncadd.s32 @p1 $0xFFFFFF80  }
0xb4: {  	[spmem:s2] =	stream.indirect.scatter.add.f32 @p1 [tilespmem:s23], [sflag:$0x6], $0x20, s28, s26, $0xb8;
	[tilespmem:$0x1CAA0] =	vst v63  }
0xb5: {  	s8 =	sadd.s32 @!p1 s10, s19;
	s1 =	sadd.s32 @!p1 $0xA00, s1;
	_ =	swait.ge @p1 [sflag:s24], $0x1000  }
0xb6: {  	s0 =	sadd.s32 @!p1 $0xA00, s8;
	s8 =	simm.s32 @!p1 $0xE;
	[sflag:s24] =	ssyncset.done @p1 $0x0  }
0xb7: {  	s23 =	simm.s32 @!p1 $0x0;
	s26 =	simm.s32 @!p1 $0x18720;
	[sflag:s24] =	ssyncadd.s32 @p1 $0xFFFFF000  }
0xb8: {  	[tilespmem:s26], [sflag:$0xA] =	stream.linear.gather @!p1 [hbm4b:s1+s23], $0x80, $0x38;
	[tilespmem:$0x1CAA0] =	vst v63  }
0xb9: {  	_ =	swait.ge @!p1 [sflag:s8], $0x80  }
0xba: {  	s29 =	simm.s32 @!p1 $0x18920;
	s28 =	simm.s32 @!p1 $0x80;
	[sflag:s8] =	ssyncset.done @!p1 $0x0  }
0xbb: {  	s24 =	simm.s32 @!p1 $0x6;
	s1 =	simm.s32 @!p1 $0x19AA0;
	[sflag:s8] =	ssyncadd.s32 @!p1 $0xFFFFFF80  }
0xbc: {  	[spmem:s2] =	stream.indirect.scatter.add.f32 @!p1 [tilespmem:s1], [sflag:$0x6], $0x20, s29, s28, $0xb8;
	[tilespmem:$0x1CAA0] =	vst v63  }
0xbd: {  	_ =	swait.ge @!p1 [sflag:s24], $0x1000  }
0xbe: {  	[sflag:s24] =	ssyncset.done @!p1 $0x0  }
0xbf: {  	s8 =	simm.s32 @!p1 $0xA;
	[sflag:s24] =	ssyncadd.s32 @!p1 $0xFFFFF000  }
0xc0: {  	[tilespmem:s29], [sflag:$0xE] =	stream.linear.gather @!p1 [hbm4b:s0+s23], $0x80, $0x38;
	[tilespmem:$0x1CAA0] =	vst v63  }
0xc1: {  	_ =	swait.ge @!p1 [sflag:s8], $0x80  }
0xc2: {  	[sflag:s8] =	ssyncset.done @!p1 $0x0  }
0xc3: {  	[sflag:s8] =	ssyncadd.s32 @!p1 $0xFFFFFF80  }
0xc4: {  	[tilespmem:s1], [sflag:$0x2] =	stream.indirect.gather @!p1 [hbm4b:s4+s28], $0x20, s26, s28, $0xb8;
	[tilespmem:$0x1CAA0] =	vst v63  }
0xc5: {  	s29 =	sadd.s32 $0xC0, s13;
	_ =	swait.ge [sflag:s6], $0x1000  }
0xc6: {  	p1 =	sgt.u32 s29, $0x1869;
	[sflag:s6] =	ssyncset.done $0x0  }
0xc7: {  	s0 =	simm.s32 @p1 $0xF;
	[sflag:s6] =	ssyncadd.s32 $0xFFFFF000  }
0xc8: {  	s22 =	sadd.s32 $0xE0, s18;
	_ =	swait.ge @p1 [sflag:s0], $0x80  }
0xc9: {  	s8 =	simm.s32 @p1 $0x189A0;
	s23 =	simm.s32 @p1 $0x1AAA0;
	[sflag:s0] =	ssyncset.done @p1 $0x0  }
0xca: {  	s24 =	simm.s32 @p1 $0x80;
	s26 =	simm.s32 @p1 $0x7;
	[sflag:s0] =	ssyncadd.s32 @p1 $0xFFFFFF80  }
0xcb: {  	[spmem:s2] =	stream.indirect.scatter.add.f32 @p1 [tilespmem:s23], [sflag:$0x7], $0x20, s8, s24, $0xb8;
	[tilespmem:$0x1CAA0] =	vst v63  }
0xcc: {  	s13 =	smov.u32 s18;
	s18 =	sadd.s32 @!p1 s10, s20;
	_ =	swait.ge @p1 [sflag:s26], $0x1000  }
0xcd: {  	s0 =	sadd.s32 @!p1 $0xC00, s18;
	s18 =	simm.s32 @!p1 $0x0;
	[sflag:s26] =	ssyncset.done @p1 $0x0  }
0xce: {  	s8 =	simm.s32 @!p1 $0xF;
	s23 =	simm.s32 @!p1 $0x187A0;
	[sflag:s26] =	ssyncadd.s32 @p1 $0xFFFFF000  }
0xcf: {  	[tilespmem:s23], [sflag:$0xB] =	stream.linear.gather @!p1 [hbm4b:s0+s18], $0x80, $0x38;
	[tilespmem:$0x1CAA0] =	vst v63  }
0xd0: {  	_ =	swait.ge @!p1 [sflag:s8], $0x80  }
0xd1: {  	s28 =	simm.s32 @!p1 $0x189A0;
	s24 =	simm.s32 @!p1 $0x7;
	[sflag:s8] =	ssyncset.done @!p1 $0x0  }
0xd2: {  	s26 =	simm.s32 @!p1 $0x80;
	s0 =	simm.s32 @!p1 $0x1AAA0;
	[sflag:s8] =	ssyncadd.s32 @!p1 $0xFFFFFF80  }
0xd3: {  	[spmem:s2] =	stream.indirect.scatter.add.f32 @!p1 [tilespmem:s0], [sflag:$0x7], $0x20, s28, s26, $0xb8;
	[tilespmem:$0x1CAA0] =	vst v63  }
0xd4: {  	_ =	swait.ge @!p1 [sflag:s24], $0x1000  }
0xd5: {  	s1 =	sadd.s32 @!p1 s10, s19;
	[sflag:s24] =	ssyncset.done @!p1 $0x0  }
0xd6: {  	s1 =	sadd.s32 @!p1 $0xC00, s1;
	s8 =	simm.s32 @!p1 $0xB;
	[sflag:s24] =	ssyncadd.s32 @!p1 $0xFFFFF000  }
0xd7: {  	[tilespmem:s28], [sflag:$0xF] =	stream.linear.gather @!p1 [hbm4b:s1+s18], $0x80, $0x38;
	[tilespmem:$0x1CAA0] =	vst v63  }
0xd8: {  	_ =	swait.ge @!p1 [sflag:s8], $0x80  }
0xd9: {  	[sflag:s8] =	ssyncset.done @!p1 $0x0;
	s31 =	rddreg [dreg:$0x3]  }
0xda: {  	s17 =	smov.u32 s15;
	[sflag:s8] =	ssyncadd.s32 @!p1 $0xFFFFFF80;
	p2 =	sge.u32 s11, s31  }
0xdb: {  	[tilespmem:s0], [sflag:$0x3] =	stream.indirect.gather @!p1 [hbm4b:s4+s26], $0x20, s23, s26, $0xb8;
	[tilespmem:$0x1CAA0] =	vst v63  }
0xdc: {  	s15 =	sadd.s32 $0x800, s15;
	s0 =	simm.s32 @!p2 $0x4;
	p1 =	sgt.u32 s12, $0x1869  }
0xdd: {  	s12 =	smov.u32 s22;
	s18 =	simm.s32 @!p2 $0x10;
	_ =	swait.ge @!p2 [sflag:s0], $0x1000  }
0xde: {  	s1 =	sadd.s32 @!p1 s10, s20;
	s8 =	simm.s32 @!p1 $0x0;
	[sflag:s0] =	ssyncset.done @!p2 $0x0  }
0xdf: {  	s22 =	simm.s32 @!p1 $0x18820;
	s1 =	sadd.s32 @!p1 $0xE00, s1;
	[sflag:s0] =	ssyncadd.s32 @!p2 $0xFFFFF000  }
0xe0: {  	[tilespmem:s22], [sflag:$0xC] =	stream.linear.gather @!p1 [hbm4b:s1+s8], $0x80, $0x38;
	[tilespmem:$0x1CAA0] =	vst v63  }
0xe1: {  	p0 =	sne.s32 s15, $0x18800;
	_ =	swait.ge @!p2 [sflag:s18], $0x80  }
0xe2: {  	s23 =	simm.s32 @!p2 $0x8;
	s24 =	simm.s32 @!p2 $0x80;
	[sflag:s18] =	ssyncset.done @!p2 $0x0  }
0xe3: {  	s26 =	simm.s32 @!p2 $0x18A20;
	s1 =	simm.s32 @!p2 $0x1BAA0;
	[sflag:s18] =	ssyncadd.s32 @!p2 $0xFFFFFF80  }
0xe4: {  	[spmem:s2] =	stream.indirect.scatter.add.f32 @!p2 [tilespmem:s1], [sflag:$0x8], $0x20, s26, s24, $0xb8;
	[tilespmem:$0x1CAA0] =	vst v63  }
0xe5: {  	s0 =	sadd.s32 @!p1 s10, s19;
	s10 =	smov.u32 s17;
	_ =	swait.ge @!p2 [sflag:s23], $0x1000  }
.Ltmp0:
0xe6: {  	s17 =	simm.s32 @!p1 $0xC;
	[sflag:s23] =	ssyncset.done @!p2 $0x0;
	(pc) =	sbr.rel @p0 .LBB2_2-.Ltmp0, $4  }
0xe7: {  	s0 =	sadd.s32 @!p1 $0xE00, s0;
	s1 =	simm.s32 @!p1 $0x18A20;
	[sflag:s23] =	ssyncadd.s32 @!p2 $0xFFFFF000  }
0xe8: {  	[tilespmem:s1], [sflag:$0x10] =	stream.linear.gather @!p1 [hbm4b:s0+s8], $0x80, $0x38;
	[tilespmem:$0x1CAA0] =	vst v63  }
0xe9: {  	s11 =	smov.u32 s16;
	s16 =	sadd.s32 $0x80, s16;
	_ =	swait.ge @!p1 [sflag:s17], $0x80  }
0xea: {  	s24 =	simm.s32 @!p1 $0x1BAA0;
	s26 =	simm.s32 @!p1 $0x80;
	[sflag:s17] =	ssyncset.done @!p1 $0x0  }
0xeb: {  	[sflag:s17] =	ssyncadd.s32 @!p1 $0xFFFFFF80  }
0xec: {  	[tilespmem:s24], [sflag:$0x4] =	stream.indirect.gather @!p1 [hbm4b:s4+s26], $0x20, s22, s26, $0xb8;
	[tilespmem:$0x1CAA0] =	vst v63  }
0xed: {  	s0 =	sadd.s32 $0x80, s13;
	_ =	swait.ge [sflag:s30], $0x1000  }
0xee: {  	p0 =	sgt.u32 s0, $0x1869;
	[sflag:s30] =	ssyncset.done $0x0  }
0xef: {  	s0 =	simm.s32 @p0 $0xD;
	[sflag:s30] =	ssyncadd.s32 $0xFFFFF000  }
0xf0: {  	_ =	swait.ge @p0 [sflag:s0], $0x80  }
0xf1: {  	s1 =	simm.s32 @p0 $0x18AA0;
	s8 =	simm.s32 @p0 $0x5;
	[sflag:s0] =	ssyncset.done @p0 $0x0  }
0xf2: {  	s15 =	simm.s32 @p0 $0x80;
	s16 =	simm.s32 @p0 $0x188A0;
	[sflag:s0] =	ssyncadd.s32 @p0 $0xFFFFFF80  }
0xf3: {  	[spmem:s2] =	stream.indirect.scatter.add.f32 @p0 [tilespmem:s1], [sflag:$0x5], $0x20, s16, s15, $0xb8;
	[tilespmem:$0x1CAA0] =	vst v63  }
0xf4: {  	s0 =	sadd.s32 @!p0 s10, s20;
	_ =	swait.ge @p0 [sflag:s8], $0x1000  }
0xf5: {  	s0 =	sadd.s32 @!p0 $0x800, s0;
	s1 =	simm.s32 @!p0 $0xD;
	[sflag:s8] =	ssyncset.done @p0 $0x0  }
0xf6: {  	s15 =	simm.s32 @!p0 $0x0;
	s16 =	simm.s32 @!p0 $0x186A0;
	[sflag:s8] =	ssyncadd.s32 @p0 $0xFFFFF000  }
0xf7: {  	[tilespmem:s16], [sflag:$0x9] =	stream.linear.gather @!p0 [hbm4b:s0+s15], $0x80, $0x38;
	[tilespmem:$0x1CAA0] =	vst v63  }
0xf8: {  	_ =	swait.ge @!p0 [sflag:s1], $0x80  }
0xf9: {  	s17 =	simm.s32 @!p0 $0x80;
	s18 =	simm.s32 @!p0 $0x188A0;
	[sflag:s1] =	ssyncset.done @!p0 $0x0  }
0xfa: {  	s8 =	simm.s32 @!p0 $0x5;
	s0 =	simm.s32 @!p0 $0x18AA0;
	[sflag:s1] =	ssyncadd.s32 @!p0 $0xFFFFFF80  }
0xfb: {  	[spmem:s2] =	stream.indirect.scatter.add.f32 @!p0 [tilespmem:s0], [sflag:$0x5], $0x20, s18, s17, $0xb8;
	[tilespmem:$0x1CAA0] =	vst v63  }
0xfc: {  	_ =	swait.ge @!p0 [sflag:s8], $0x1000  }
0xfd: {  	s1 =	sadd.s32 @!p0 s10, s19;
	[sflag:s8] =	ssyncset.done @!p0 $0x0  }
0xfe: {  	s22 =	simm.s32 @!p0 $0x9;
	s1 =	sadd.s32 @!p0 $0x800, s1;
	[sflag:s8] =	ssyncadd.s32 @!p0 $0xFFFFF000  }
0xff: {  	[tilespmem:s18], [sflag:$0xD] =	stream.linear.gather @!p0 [hbm4b:s1+s15], $0x80, $0x38;
	[tilespmem:$0x1CAA0] =	vst v63  }
0x100: {  	_ =	swait.ge @!p0 [sflag:s22], $0x80  }
0x101: {  	[sflag:s22] =	ssyncset.done @!p0 $0x0  }
0x102: {  	[sflag:s22] =	ssyncadd.s32 @!p0 $0xFFFFFF80  }
0x103: {  	[tilespmem:s0], [sflag:$0x1] =	stream.indirect.gather @!p0 [hbm4b:s4+s17], $0x20, s16, s17, $0xb8;
	[tilespmem:$0x1CAA0] =	vst v63  }
0x104: {  	_ =	swait.ge [sflag:s25], $0x1000  }
0x105: {  	p0 =	sgt.u32 s14, $0x1869;
	[sflag:s25] =	ssyncset.done $0x0  }
0x106: {  	s0 =	simm.s32 @p0 $0xE;
	[sflag:s25] =	ssyncadd.s32 $0xFFFFF000  }
0x107: {  	_ =	swait.ge @p0 [sflag:s0], $0x80  }
0x108: {  	s1 =	simm.s32 @p0 $0x19AA0;
	s8 =	simm.s32 @p0 $0x6;
	[sflag:s0] =	ssyncset.done @p0 $0x0  }
0x109: {  	s14 =	simm.s32 @p0 $0x80;
	s15 =	simm.s32 @p0 $0x18920;
	[sflag:s0] =	ssyncadd.s32 @p0 $0xFFFFFF80  }
0x10a: {  	[spmem:s2] =	stream.indirect.scatter.add.f32 @p0 [tilespmem:s1], [sflag:$0x6], $0x20, s15, s14, $0xb8;
	[tilespmem:$0x1CAA0] =	vst v63  }
0x10b: {  	s0 =	sadd.s32 @!p0 s10, s20;
	_ =	swait.ge @p0 [sflag:s8], $0x1000  }
0x10c: {  	s0 =	sadd.s32 @!p0 $0xA00, s0;
	s1 =	simm.s32 @!p0 $0xE;
	[sflag:s8] =	ssyncset.done @p0 $0x0  }
0x10d: {  	s14 =	simm.s32 @!p0 $0x0;
	s15 =	simm.s32 @!p0 $0x18720;
	[sflag:s8] =	ssyncadd.s32 @p0 $0xFFFFF000  }
0x10e: {  	[tilespmem:s15], [sflag:$0xA] =	stream.linear.gather @!p0 [hbm4b:s0+s14], $0x80, $0x38;
	[tilespmem:$0x1CAA0] =	vst v63  }
0x10f: {  	_ =	swait.ge @!p0 [sflag:s1], $0x80  }
0x110: {  	s16 =	simm.s32 @!p0 $0x80;
	s17 =	simm.s32 @!p0 $0x18920;
	[sflag:s1] =	ssyncset.done @!p0 $0x0  }
0x111: {  	s8 =	simm.s32 @!p0 $0x6;
	s0 =	simm.s32 @!p0 $0x19AA0;
	[sflag:s1] =	ssyncadd.s32 @!p0 $0xFFFFFF80  }
0x112: {  	[spmem:s2] =	stream.indirect.scatter.add.f32 @!p0 [tilespmem:s0], [sflag:$0x6], $0x20, s17, s16, $0xb8;
	[tilespmem:$0x1CAA0] =	vst v63  }
0x113: {  	_ =	swait.ge @!p0 [sflag:s8], $0x1000  }
0x114: {  	s1 =	sadd.s32 @!p0 s10, s19;
	[sflag:s8] =	ssyncset.done @!p0 $0x0  }
0x115: {  	s18 =	simm.s32 @!p0 $0xA;
	s1 =	sadd.s32 @!p0 $0xA00, s1;
	[sflag:s8] =	ssyncadd.s32 @!p0 $0xFFFFF000  }
0x116: {  	[tilespmem:s17], [sflag:$0xE] =	stream.linear.gather @!p0 [hbm4b:s1+s14], $0x80, $0x38;
	[tilespmem:$0x1CAA0] =	vst v63  }
0x117: {  	_ =	swait.ge @!p0 [sflag:s18], $0x80  }
0x118: {  	[sflag:s18] =	ssyncset.done @!p0 $0x0  }
0x119: {  	[sflag:s18] =	ssyncadd.s32 @!p0 $0xFFFFFF80  }
0x11a: {  	[tilespmem:s0], [sflag:$0x2] =	stream.indirect.gather @!p0 [hbm4b:s4+s16], $0x20, s15, s16, $0xb8;
	[tilespmem:$0x1CAA0] =	vst v63  }
0x11b: {  	s26 =	sadd.s32 $0xC0, s13;
	_ =	swait.ge [sflag:s6], $0x1000  }
0x11c: {  	p0 =	sgt.u32 s26, $0x1869;
	[sflag:s6] =	ssyncset.done $0x0  }
0x11d: {  	s0 =	simm.s32 @p0 $0xF;
	[sflag:s6] =	ssyncadd.s32 $0xFFFFF000  }
0x11e: {  	_ =	swait.ge @p0 [sflag:s0], $0x80  }
0x11f: {  	s1 =	simm.s32 @p0 $0x189A0;
	s8 =	simm.s32 @p0 $0x1AAA0;
	[sflag:s0] =	ssyncset.done @p0 $0x0  }
0x120: {  	s13 =	simm.s32 @p0 $0x80;
	s14 =	simm.s32 @p0 $0x7;
	[sflag:s0] =	ssyncadd.s32 @p0 $0xFFFFFF80  }
0x121: {  	[spmem:s2] =	stream.indirect.scatter.add.f32 @p0 [tilespmem:s8], [sflag:$0x7], $0x20, s1, s13, $0xb8;
	[tilespmem:$0x1CAA0] =	vst v63  }
0x122: {  	s0 =	sadd.s32 @!p0 s10, s20;
	_ =	swait.ge @p0 [sflag:s14], $0x1000  }
0x123: {  	s0 =	sadd.s32 @!p0 $0xC00, s0;
	s1 =	simm.s32 @!p0 $0xF;
	[sflag:s14] =	ssyncset.done @p0 $0x0  }
0x124: {  	s8 =	simm.s32 @!p0 $0x0;
	s13 =	simm.s32 @!p0 $0x187A0;
	[sflag:s14] =	ssyncadd.s32 @p0 $0xFFFFF000  }
0x125: {  	[tilespmem:s13], [sflag:$0xB] =	stream.linear.gather @!p0 [hbm4b:s0+s8], $0x80, $0x38;
	[tilespmem:$0x1CAA0] =	vst v63  }
0x126: {  	_ =	swait.ge @!p0 [sflag:s1], $0x80  }
0x127: {  	s15 =	simm.s32 @!p0 $0x80;
	s16 =	simm.s32 @!p0 $0x189A0;
	[sflag:s1] =	ssyncset.done @!p0 $0x0  }
0x128: {  	s14 =	simm.s32 @!p0 $0x7;
	s0 =	simm.s32 @!p0 $0x1AAA0;
	[sflag:s1] =	ssyncadd.s32 @!p0 $0xFFFFFF80  }
0x129: {  	[spmem:s2] =	stream.indirect.scatter.add.f32 @!p0 [tilespmem:s0], [sflag:$0x7], $0x20, s16, s15, $0xb8;
	[tilespmem:$0x1CAA0] =	vst v63  }
0x12a: {  	_ =	swait.ge @!p0 [sflag:s14], $0x1000  }
0x12b: {  	s1 =	sadd.s32 @!p0 s10, s19;
	[sflag:s14] =	ssyncset.done @!p0 $0x0  }
0x12c: {  	s17 =	simm.s32 @!p0 $0xB;
	s1 =	sadd.s32 @!p0 $0xC00, s1;
	[sflag:s14] =	ssyncadd.s32 @!p0 $0xFFFFF000  }
0x12d: {  	[tilespmem:s16], [sflag:$0xF] =	stream.linear.gather @!p0 [hbm4b:s1+s8], $0x80, $0x38;
	[tilespmem:$0x1CAA0] =	vst v63  }
0x12e: {  	_ =	swait.ge @!p0 [sflag:s17], $0x80  }
0x12f: {  	[sflag:s17] =	ssyncset.done @!p0 $0x0;
	s28 =	rddreg [dreg:$0x3]  }
0x130: {  	[sflag:s17] =	ssyncadd.s32 @!p0 $0xFFFFFF80;
	p1 =	sge.u32 s11, s28  }
0x131: {  	[tilespmem:s0], [sflag:$0x3] =	stream.indirect.gather @!p0 [hbm4b:s4+s15], $0x20, s13, s15, $0xb8;
	[tilespmem:$0x1CAA0] =	vst v63  }
0x132: {  	s0 =	simm.s32 @!p1 $0x4  }
0x133: {  	p0 =	sgt.u32 s12, $0x1869;
	s11 =	simm.s32 @!p1 $0x10;
	_ =	swait.ge @!p1 [sflag:s0], $0x1000  }
0x134: {  	s1 =	sadd.s32 @!p0 s10, s20;
	s8 =	simm.s32 @!p0 $0x0;
	[sflag:s0] =	ssyncset.done @!p1 $0x0  }
0x135: {  	s1 =	sadd.s32 @!p0 $0xE00, s1;
	[sflag:s0] =	ssyncadd.s32 @!p1 $0xFFFFF000;
	s0 =	simm.s32 @!p0 $0x18820  }
0x136: {  	[tilespmem:s0], [sflag:$0xC] =	stream.linear.gather @!p0 [hbm4b:s1+s8], $0x80, $0x38;
	[tilespmem:$0x1CAA0] =	vst v63  }
0x137: {  	_ =	swait.ge @!p1 [sflag:s11], $0x80  }
0x138: {  	s12 =	simm.s32 @!p1 $0x8;
	s13 =	simm.s32 @!p1 $0x80;
	[sflag:s11] =	ssyncset.done @!p1 $0x0  }
0x139: {  	s14 =	simm.s32 @!p1 $0x18A20;
	s1 =	simm.s32 @!p1 $0x1BAA0;
	[sflag:s11] =	ssyncadd.s32 @!p1 $0xFFFFFF80  }
0x13a: {  	[spmem:s2] =	stream.indirect.scatter.add.f32 @!p1 [tilespmem:s1], [sflag:$0x8], $0x20, s14, s13, $0xb8;
	[tilespmem:$0x1CAA0] =	vst v63  }
0x13b: {  	_ =	swait.ge @!p1 [sflag:s12], $0x1000  }
0x13c: {  	s11 =	simm.s32 @!p0 $0xC;
	s1 =	sadd.s32 @!p0 s10, s19;
	[sflag:s12] =	ssyncset.done @!p1 $0x0  }
0x13d: {  	s10 =	simm.s32 @!p0 $0x18A20;
	s1 =	sadd.s32 @!p0 $0xE00, s1;
	[sflag:s12] =	ssyncadd.s32 @!p1 $0xFFFFF000  }
0x13e: {  	[tilespmem:s10], [sflag:$0x10] =	stream.linear.gather @!p0 [hbm4b:s1+s8], $0x80, $0x38;
	[tilespmem:$0x1CAA0] =	vst v63  }
0x13f: {  	_ =	swait.ge @!p0 [sflag:s11], $0x80  }
0x140: {  	[sflag:s11] =	ssyncset.done @!p0 $0x0  }
0x141: {  	s1 =	simm.s32 @!p0 $0x1BAA0;
	s8 =	simm.s32 @!p0 $0x80;
	[sflag:s11] =	ssyncadd.s32 @!p0 $0xFFFFFF80  }
0x142: {  	[tilespmem:s1], [sflag:$0x4] =	stream.indirect.gather @!p0 [hbm4b:s4+s8], $0x20, s0, s8, $0xb8;
	[tilespmem:$0x1CAA0] =	vst v63  }
0x143: {  	[bflag:$0x0] =	sbarrier.arrive $0xFFFF  }
0x144: {  	s8 =	rddreg [dreg:$0x6]  }
0x145: {  	s29 =	rddreg [dreg:$0xf]  }
0x146: {  	[hbm:s29], [sflag:s8] =	dma.local [spmem:s9], $0x30D4  }
0x147: {  	_ =	swait.ge [sflag:s21], $0x30D4  }
0x148: {  	s7 =	sadd.s32 $0x1, s7;
	s31 =	rddreg [dreg:$0x10]  }
0x149: {  	p0 =	sne.s32 s7, s31  }
.Ltmp1:
0x14a: {  	_ = 	snop;
	(pc) =	sbr.rel @p0 .LBB2_1-.Ltmp1, $3  }
0x14b: {  	_ =	sdelay $0x1  }
0x14c: {  	[sflag:s21] =	ssyncset.done $0x0  }
0x14d: {  	[sflag:s21] =	ssyncadd.s32 $0xFFFFCF2C  }
0x14e: {  	_ =	sfence.sel $0x180000  }
0x14f: {  	[bflag:$0x0] =	sbarrier.arrive $0xFFFF  }
0x150: {  	_ =	strace $0x9000004A  }
0x151: {  	s0 =	stileid.u32;
	[bflag:$0x2] =	sbarrier.arrive $0xFFFF  }
0x152: {  	p0 =	sne.s32 s0, $0x0;
	s0 =	rddreg [dreg:$0x2]  }
0x153: {  	s0 =	sadd.s32 @!p0 $0x100000, s0  }
0x154: {  	[sflag:s0] =	ssyncadd.tile.s32 @!p0 $0x1;
	_ =	shalt  }
.Lfunc_end2:
_tile_overlayer_lowered:
.L_overlay_start_2:
0x155: {  	(tag) =	ssettag $0x2  }
0x156: {  	s0 =	rddreg [dreg:$0x0];
	s2 =	stileid.u32  }
0x157: {  	s1 =	rddreg [dreg:$0x1];
	p0 =	sne.s32 s2, $0x0  }
0x158: {  	s3 =	rddreg [dreg:$0x2];
	[bflag:$0x3] =	sbarrier.arrive $0xFFFF;
	s2 =	simm.s32 @!p0 $0x1C11  }
0x159: {  	[timem:s3], [sflag:s2] =	dma.local @!p0 [hbm:s0], s1  }
0x15a: {  	s0 =	simm.s32 @!p0 $0x11  }
0x15b: {  	_ =	swait.ge @!p0 [sflag:s0], s1  }
0x15c: {  	s1 =	ssub.s32 @!p0 $0x0, s1;
	[sflag:s0] =	ssyncset.done @!p0 $0x0  }
0x15d: {  	[sflag:s0] =	ssyncadd.s32 @!p0 s1  }
0x15e: {  	[bflag:$0x3] =	sbarrier.arrive $0xFFFF  }
0x15f: {  	_ =	shalt  }

// kernel: kernel.7.cloned.1.call-start
scs
__scs_entry_jumppad:
0x0: {  	(pc) =	sbr.rel $0x88, $3  }
0x1: {  	(tag) =	ssettag $0x0;
	lr =	simm.s32 $0x1  }
0x2: {  	[smem:$0x3F93] =	sst lr;
	_ =	strace $0xD0000000  }
0x3: {  	_ = 	snop  }
0x4: {  	_ = 	snop  }
0x5: {  	_ = 	snop  }
0x6: {  	_ = 	snop  }
0x7: {  	_ = 	snop  }
__scs_overlays_trampoline_lowered:
0x8: {  	[smem:$0x3FA2] =	sst s0  }
0x9: {  	[smem:$0x3FA3] =	sst s1  }
0xa: {  	[smem:$0x3FA4] =	sst s2  }
0xb: {  	[smem:$0x3FA5] =	sst s3  }
0xc: {  	[smem:$0x3FA6] =	sst s4  }
0xd: {  	[smem:$0x3FA7] =	sst s5  }
0xe: {  	[smem:$0x3FA8] =	sst s6  }
0xf: {  	[smem:$0x3FA9] =	sst s7  }
0x10: {  	[smem:$0x3FAA] =	sst s8  }
0x11: {  	[smem:$0x3FAB] =	sst s9;
	s0 =	simm.s32 @!p0 $0x0  }
0x12: {  	s1 =	sld [smem:$0x3F91];
	s0 =	simm.s32 @p0 $0x1  }
0x13: {  	[smem:$0x3FAC] =	sst s0;
	s0 =	simm.s32 @!p1 $0x0  }
0x14: {  	s2 =	sld [smem:$0x3F90];
	s0 =	simm.s32 @p1 $0x1  }
0x15: {  	[smem:$0x3FAD] =	sst s0;
	s0 =	simm.s32 @!p2 $0x0  }
0x16: {  	s3 =	sld [smem:$0x3FDB];
	s0 =	simm.s32 @p2 $0x1  }
0x17: {  	s4 =	simm.s32 $0x1BF5;
	[smem:$0x3FAF] =	sst s0  }
0x18: {  	s0 =	sld [smem:$0x3F92];
	_ =	swait.ge [sflag:s4], $0x0  }
0x19: {  	s7 =	sld [smem:$0x3F93]  }
0x1a: {  	s8 =	sadd.s32 $0xFFFFE003, lr  }
0x1b: {  	s9 =	sadd.s32 $0xFFFFFEF7, lr;
	s5 =	simm.s32 $0xFFFFFFFF;
	p2 =	slt.u32 s8, $0xFFFFF086  }
0x1c: {  	p1 =	slt.u32 s9, $0xF7A;
	s5 =	simm.s32 @!p2 $0x0  }
0x1d: {  	s5 =	simm.s32 @p1 $0x1;
	p0 =	seq.s32 s7, s2  }
0x1e: {  	s7 =	smul.u32 @!p0 $0xF7A, s2;
	p2 =	seq.s32 @!p0 s5, $0x0  }
0x1f: {  	s9 =	smul.u32 $0xF7A, s1;
	s8 =	simm.s32 @!p0 $0x1BF5;
	p2 =	por !p2, p0  }
0x20: {  	[sflag:s8] =	ssyncset.s32 @!p0 $0xFFFFF086;
	s6 =	sadd.s32 @!p0 s3, s7;
	s7 =	simm.s32 @!p0 $0x108  }
0x21: {  	s3 =	sadd.s32 s3, s9;
	s6 =	sadd.s32 @!p0 $0x88, s6;
	s7 =	simm.s32 @p2 $0x1082  }
0x22: {  	[simem:s7], [sflag:s8] =	dma.local @!p0 [hbm:s6], $0xF7A  }
0x23: {  	s9 =	sor.u32 $0xD0000000, s2;
	s6 =	simm.s32 $0x108;
	_ =	swait.ge @!p0 [sflag:s8], $0x0  }
0x24: {  	s3 =	sadd.s32 $0x88, s3;
	s6 =	simm.s32 @!p1 $0x1082;
	[sflag:s4] =	ssyncset.s32 $0xFFFFF086  }
0x25: {  	[simem:s6], [sflag:s4] =	dma.local [hbm:s3], $0xF7A  }
0x26: {  	[smem:$0x3F93] =	sst s1;
	(tag) =	ssettag s2;
	_ =	strace s9  }
0x27: {  	s1 =	sld [smem:$0x3FA3]  }
0x28: {  	s2 =	sld [smem:$0x3FA4]  }
0x29: {  	s4 =	sld [smem:$0x3FA6]  }
0x2a: {  	p0 =	seq.s32 s5, $0x0;
	s5 =	sld [smem:$0x3FA7]  }
0x2b: {  	s6 =	sld [smem:$0x3FA8]  }
0x2c: {  	s7 =	sld [smem:$0x3FA9]  }
0x2d: {  	s3 =	simm.s32 $0x108;
	s8 =	sld [smem:$0x3FAA]  }
0x2e: {  	s3 =	simm.s32 @!p0 $0x1082;
	s9 =	sld [smem:$0x3FAB]  }
0x2f: {  	lr =	sadd.s32 s0, s3;
	s0 =	sld [smem:$0x3FA2]  }
0x30: {  	s3 =	sld [smem:$0x3FA5]  }
0x31: {  	[smem:$0x3FAE] =	sst s10  }
0x32: {  	s10 =	sld [smem:$0x3FAC];
	_ =	sdelay $0x3  }
0x33: {  	p0 =	seq.s32 s10, $0x1;
	s10 =	sld [smem:$0x3FAE];
	_ =	sdelay $0x3  }
0x34: {  	[smem:$0x3FAE] =	sst s10  }
0x35: {  	s10 =	sld [smem:$0x3FAD];
	_ =	sdelay $0x3  }
0x36: {  	p1 =	seq.s32 s10, $0x1;
	s10 =	sld [smem:$0x3FAE];
	_ =	sdelay $0x3  }
0x37: {  	[smem:$0x3FAE] =	sst s10  }
0x38: {  	s10 =	sld [smem:$0x3FAF]  }
0x39: {  	_ = 	snop;
	(pc) =	sbr.ind lr, $3  }
0x3a: {  	_ = 	snop  }
0x3b: {  	_ = 	snop  }
0x3c: {  	p2 =	seq.s32 s10, $0x1;
	s10 =	sld [smem:$0x3FAE]  }
0x3d: {  	_ =	shalt  }
0x3e: {  	_ =	shalt  }
0x3f: {  	_ =	shalt  }
0x40: {  	_ =	shalt  }
0x41: {  	_ =	shalt  }
0x42: {  	_ =	shalt  }
0x43: {  	_ =	shalt  }
0x44: {  	_ =	shalt  }
0x45: {  	_ =	shalt  }
0x46: {  	_ =	shalt  }
0x47: {  	_ =	shalt  }
0x48: {  	_ =	shalt  }
0x49: {  	_ =	shalt  }
0x4a: {  	_ =	shalt  }
0x4b: {  	_ =	shalt  }
0x4c: {  	_ =	shalt  }
0x4d: {  	_ =	shalt  }
0x4e: {  	_ =	shalt  }
0x4f: {  	_ =	shalt  }
0x50: {  	_ =	shalt  }
0x51: {  	_ =	shalt  }
0x52: {  	_ =	shalt  }
0x53: {  	_ =	shalt  }
0x54: {  	_ =	shalt  }
0x55: {  	_ =	shalt  }
0x56: {  	_ =	shalt  }
0x57: {  	_ =	shalt  }
0x58: {  	_ =	shalt  }
0x59: {  	_ =	shalt  }
0x5a: {  	_ =	shalt  }
0x5b: {  	_ =	shalt  }
0x5c: {  	_ =	shalt  }
0x5d: {  	_ =	shalt  }
0x5e: {  	_ =	shalt  }
0x5f: {  	_ =	shalt  }
0x60: {  	_ =	shalt  }
0x61: {  	_ =	shalt  }
0x62: {  	_ =	shalt  }
0x63: {  	_ =	shalt  }
0x64: {  	_ =	shalt  }
0x65: {  	_ =	shalt  }
0x66: {  	_ =	shalt  }
0x67: {  	_ =	shalt  }
0x68: {  	_ =	shalt  }
0x69: {  	_ =	shalt  }
0x6a: {  	_ =	shalt  }
0x6b: {  	_ =	shalt  }
0x6c: {  	_ =	shalt  }
0x6d: {  	_ =	shalt  }
0x6e: {  	_ =	shalt  }
0x6f: {  	_ =	shalt  }
0x70: {  	_ =	shalt  }
0x71: {  	_ =	shalt  }
0x72: {  	_ =	shalt  }
0x73: {  	_ =	shalt  }
0x74: {  	_ =	shalt  }
0x75: {  	_ =	shalt  }
0x76: {  	_ =	shalt  }
0x77: {  	_ =	shalt  }
0x78: {  	_ =	shalt  }
0x79: {  	_ =	shalt  }
0x7a: {  	_ =	shalt  }
0x7b: {  	_ =	shalt  }
0x7c: {  	_ =	shalt  }
0x7d: {  	_ =	shalt  }
0x7e: {  	_ =	shalt  }
0x7f: {  	_ =	shalt  }
0x80: {  	_ =	shalt  }
0x81: {  	_ =	shalt  }
0x82: {  	_ =	shalt  }
0x83: {  	_ =	shalt  }
0x84: {  	_ =	shalt  }
0x85: {  	_ =	shalt  }
0x86: {  	_ =	shalt  }
0x87: {  	_ =	shalt  }
.Lfunc_end0:
.L_simem_size_0:
called_computation_lowered:
.L_overlay_start_0:
0x88: {  	s2 =	sld [smem:$0x3FD9]  }
0x89: {  	s3 =	sld [smem:$0x3FFE];
	_ =	sdelay $0x1  }
0x8a: {  	s1 =	srdreg.scid  }
0x8b: {  	s0 =	sand.u32 $0x1, s1  }
0x8c: {  	s16 =	sshll.u32 s0, $0xA;
	s2 =	sadd.s32 s3, s2  }
0x8d: {  	s2 =	sadd.s32 s2, s16  }
0x8e: {  	[smem:$0x3FBA] =	sst s2  }
0x8f: {  	_ = 	snop  }
0x90: {  	(tm) =	ssettm $0x1  }
0x91: {  	s17 =	sld [smem:$0x3FFB];
	_ =	sdelay $0x3  }
0x92: {  	_ =	strace s17  }
0x93: {  	s2 =	sld [smem:$0x3FFC];
	_ =	sdelay $0x3  }
0x94: {  	_ =	strace s2  }
0x95: {  	s2 =	sld [smem:$0x3FFD];
	_ =	sdelay $0x3  }
0x96: {  	_ =	strace s2  }
0x97: {  	_ =	strace $0x8FFFFFFF  }
0x98: {  	s18 =	sld [smem:$0x3FDB];
	_ =	sdelay $0x1  }
0x99: {  	s19 =	simm.s32 $_scs_section_size  }
0x9a: {  	s4 =	simm.s32 $_size__tile_overlayer_lowered;
	s5 =	simm.s32 $_tile_overlayer_lowered  }
0x9b: {  	s22 =	simm.s32 $0x1BFF;
	s21 =	sshll.u32 s5, $0x1;
	s2 =	sadd.s32 s19, s18  }
0x9c: {  	s6 =	simm.s32 $0x0;
	s20 =	sshll.u32 s4, $0x1;
	s4 =	sadd.s32 s21, s2  }
0x9d: {  	[timem:s6], [sflag:s22] =	dma.local [hbm:s4], s20  }
0x9e: {  	_ =	swait.ge [sflag:s22], s20  }
0x9f: {  	s3 =	ssub.s32 $0x0, s20;
	[sflag:s22] =	ssyncset.done $0x0  }
0xa0: {  	[sflag:s22] =	ssyncadd.s32 s3;
	_ =	sdelay $0x1  }
0xa1: {  	s23 =	simm.s32 $0x1B8B  }
0xa2: {  	_ =	swait.ge [sflag:s23], $0x1  }
0xa3: {  	[sflag:s23] =	ssyncset.done $0x0  }
0xa4: {  	s25 =	simm.s32 $0x1B8E;
	s24 =	sld [smem:$0x3FFE];
	[sflag:s23] =	ssyncadd.s32 $0xFFFFFFFF  }
0xa5: {  	s26 =	simm.s32 $execute0_lowered;
	[smem:$0x3FD2] =	sst s25  }
0xa6: {  	s4 =	sshll.u32 s26, $0x1;
	_ =	strace $0x80000046;
	[dreg:$0x1] =	wrdreg $0xFFFFFFFF  }
0xa7: {  	s28 =	simm.s32 $_size_execute0_lowered;
	s2 =	sadd.s32 s2, s4;
	[dreg:$0x0] =	wrdreg $0x0  }
0xa8: {  	s4 =	sshll.u32 s28, $0x1;
	[dreg:$0x2] =	wrdreg s2  }
0xa9: {  	[dreg:$0x3] =	wrdreg s4  }
0xaa: {  	[dreg:$0x4] =	wrdreg $0xC0  }
0xab: {  	_ =	task [dreg:s6], $0x5FFFF  }
0xac: {  	[dreg:$0x1] =	wrdreg $0xFFFFFFFF  }
0xad: {  	[dreg:$0x0] =	wrdreg $0x60  }
0xae: {  	[dreg:$0x2] =	wrdreg s24  }
0xaf: {  	[dreg:$0x3] =	wrdreg $0x0  }
0xb0: {  	[dreg:$0x4] =	wrdreg $0x9  }
0xb1: {  	_ =	task.clear_ibuf [dreg:s6], $0x5FFFF;
	_ =	strace $0x90000046  }
0xb2: {  	s29 =	simm.s32 $0x9;
	_ =	strace $0x80000048  }
0xb3: {  	_ =	swait.ge [sflag:s29], $0x1  }
0xb4: {  	[sflag:s29] =	ssyncadd.s32 $0xFFFFFFFF  }
0xb5: {  	_ =	strace $0x90000048  }
0xb6: {  	_ =	sfence  }
0xb7: {  	s30 =	sld [smem:$0x0];
	_ =	sdelay $0x2  }
0xb8: {  	s31 =	sshll.u32 s1, $0xD;
	s1 =	sshrl.u32 s1, $0x2  }
0xb9: {  	s3 =	sand.u32 $0x4000, s31;
	s1 =	sadd.s32 s1, s30  }
0xba: {  	s0 =	sor.u32 s3, s0;
	s1 =	sshll.u32 s1, $0x11  }
0xbb: {  	s0 =	sor.u32 s1, s0  }
0xbc: {  	s0 =	sadd.s32 $0x8F2B, s0  }
0xbd: {  	[sflag:s0] =	ssyncadd.remote.s32 $0x1  }
0xbe: {  	_ =	sfence.sel $0xFFFF  }
0xbf: {  	[dreg:$0x0] =	wrdreg $0xFFFFFFFF;
	(pc) =	sbr.abs _section_cstart, $3  }
0xc0: {  	[dreg:$0x1] =	wrdreg $0xFFFFFFFF  }
0xc1: {  	_ =	task.clear_ibuf [dreg:s6], $0x2FFFF;
	_ =	strace $0x9FFFFFFF  }
0xc2: {  	(tm) =	ssettm $0x7FFFFFFF  }
0xc3: {  	_ =	shalt  }
tec
execute0_lowered:
.L_overlay_start_1:
0x0: {  	(tag) =	ssettag $0x1  }
0x1: {  	s5 =	rddreg [dreg:$0x0]  }
0x2: {  	s2 =	rddreg [dreg:$0x1]  }
0x3: {  	s0 =	rddreg [dreg:$0x2]  }
0x4: {  	s1 =	stileid.u32;
	s4 =	srdreg.scid  }
0x5: {  	s3 =	simm.s32 $0x0;
	s16 =	simm.s32 $0xC350;
	s17 =	simm.s32 $0x80  }
0x6: {  	s18 =	simm.s32 $0x1;
	s19 =	simm.s32 $0x0;
	s6 =	smul.u32 $0xC350, s1  }
0x7: {  	s7 =	sand.u32 $0x1, s4;
	[smem:$0x7FF] =	sst s3;
	s9 =	sadd.s32 $0x1A200, s5  }
0x8: {  	s10 =	sadd.s32 $0x1A00, s5;
	s4 =	sadd.s32 $0x32A00, s5;
	s28 =	sshll.u32 s1, $0x6  }
0x9: {  	s29 =	smul.u32 $0x1860, s1;
	s30 =	sshll.u32 s1, $0x4;
	p1 =	sgt.u32 s1, $0x9  }
0xa: {  	p2 =	slt.u32 s1, $0xA;
	s8 =	smul.u32 $0xC3500, s7;
	_ =	strace $0x80000047  }
0xb: {  	s11 =	ssub.s32 $0x2, s7;
	p0 =	seq.s32 s7, $0x1;
	s31 =	sadd.s32 s30, s9  }
0xc: {  	s12 =	sshrl.u32 s6, $0x3;
	s13 =	sshrl.u32 s11, $0x1;
	s15 =	sadd.s32 s6, s2  }
0xd: {  	s7 =	sadd.s32 s9, s29;
	s9 =	sadd.s32 s10, s29;
	s10 =	sadd.s32 s30, s10  }
.Ltmp0:
0xe: {  	s8 =	sadd.s32 s6, s8;
	s12 =	sadd.s32 s12, s5;
	(pc) =	sbr.rel .LBB2_1-.Ltmp0, $4  }
0xf: {  	s13 =	ssub.s32 s11, s13;
	s6 =	sor.u32 $0x1C02, s28;
	s8 =	sshrl.u32 s8, $0x3  }
0x10: {  	s10 =	sadd.s32 $0x18600, s10;
	s14 =	sadd.s32 s8, s5;
	s5 =	sadd.s32 $0x32C00, s12  }
0x11: {  	s8 =	sadd.s32 $0x18600, s31;
	s12 =	smax.u32 s13, $0x1;
	s13 =	sshrl.u32 s15, $0x3  }
0x12: {  	s15 =	simm.s32 $0x186D0;
	s11 =	sadd.s32 $0x4B400, s14;
	s14 =	simm.s32 $0x2  }
.LBB2_12:
0x13: {  	_ =	swait.ge [sflag:s18], $0x800  }
0x14: {  	[sflag:s18] =	ssyncset.done $0x0  }
0x15: {  	[sflag:s18] =	ssyncadd.s32 $0xFFFFF800  }
.LBB2_13:
0x16: {  	s19 =	sadd.s32 $0x1, s19  }
0x17: {  	p3 =	sne.s32 s19, s12  }
.Ltmp1:
0x18: {  	[bflag:$0x0] =	sbarrier.arrive $0xFFFF;
	(pc) =	sbr.rel @!p3 .LBB2_14-.Ltmp1, $4  }
0x19: {  	[hbm:s11], [sflag:s6] =	dma.local [spmem:s13], $0x186A  }
0x1a: {  	_ =	swait.ge [sflag:s14], $0x186A  }
0x1b: {  	[sflag:s14] =	ssyncset.done $0x0  }
0x1c: {  	[sflag:s14] =	ssyncadd.s32 $0xFFFFE796  }
.LBB2_1:
0x1d: {  	[spmem:s13], [sflag:s6] =	dma.local [hbm:s5], $0x186A  }
0x1e: {  	_ =	swait.ge [sflag:s14], $0x186A  }
0x1f: {  	[sflag:s14] =	ssyncset.done $0x0  }
.Ltmp2:
0x20: {  	[sflag:s14] =	ssyncadd.s32 $0xFFFFE796;
	(pc) =	sbr.rel @!p0 .LBB2_2-.Ltmp2, $4  }
0x21: {  	[tilespmem:s15], [sflag:$0x2] =	stream.linear.gather [hbm4b:s4+s3], $0x800, $0x38;
	[tilespmem:$0x18ED0] =	vst v63  }
0x22: {  	_ =	swait.ge [sflag:s14], $0x800  }
0x23: {  	[sflag:s14] =	ssyncset.done $0x0  }
0x24: {  	[sflag:s14] =	ssyncadd.s32 $0xFFFFF800  }
0x25: {  	[tilespmem:s16], [sflag:$0x2] =	stream.linear.gather [hbm4b:s9+s3], $0xC300, $0x38;
	[tilespmem:$0x18ED0] =	vst v63  }
0x26: {  	_ =	swait.ge [sflag:s14], $0xC300  }
0x27: {  	[sflag:s14] =	ssyncset.done $0x0  }
0x28: {  	s20 =	simm.s32 @!p1 $0x0;
	s21 =	simm.s32 @!p1 $0x18650;
	[sflag:s14] =	ssyncadd.s32 $0xFFFF3D00  }
0x29: {  	[tilespmem:s21], [sflag:$0x2] =	stream.linear.gather @!p1 [hbm4b:s10+s20], $0x80, $0x38;
	[tilespmem:$0x18ED0] =	vst v63  }
0x2a: {  	s20 =	simm.s32 @!p1 $0x2  }
0x2b: {  	_ =	swait.ge @!p1 [sflag:s20], $0x80  }
0x2c: {  	[sflag:s20] =	ssyncset.done @!p1 $0x0  }
0x2d: {  	[sflag:s20] =	ssyncadd.s32 @!p1 $0xFFFFFF80  }
0x2e: {  	s21 =	simm.s32 $0xC350;
	s20 =	simm.s32 $0x200;
	[bflag:$0x0] =	sbarrier.arrive $0xFFFF  }
.LBB2_8:
0x2f: {  	[spmem:s2] =	stream.indirect.scatter.add.f32 [tilespmem:s15], [sflag:$0x1], $0x10, s21, s17, $0xb8;
	[tilespmem:$0x18ED0] =	vst v63  }
0x30: {  	s21 =	smov.u32 s20;
	p3 =	sne.s32 s20, $0x30A00  }
.Ltmp3:
0x31: {  	s20 =	sadd.s32 $0x200, s20;
	(pc) =	sbr.rel @p3 .LBB2_8-.Ltmp3, $3  }
0x32: {  	_ =	sdelay $0x1  }
0x33: {  	s21 =	sshra.s32 s21, $0x2  }
0x34: {  	s21 =	sadd.s32 $0xC350, s21  }
0x35: {  	[spmem:s2] =	stream.indirect.scatter.add.f32 [tilespmem:s15], [sflag:$0x1], $0x10, s21, s17, $0xb8;
	[tilespmem:$0x18ED0] =	vst v63  }
0x36: {  	s20 =	simm.s32 @!p1 $0x80;
	s21 =	simm.s32 @!p1 $0x18650;
	s22 =	simm.s32 @!p1 $0x186D0  }
0x37: {  	[spmem:s2] =	stream.indirect.scatter.add.f32 @!p1 [tilespmem:s22], [sflag:$0x1], $0x10, s21, s20, $0xb8;
	[tilespmem:$0x18ED0] =	vst v63  }
0x38: {  	_ =	swait.ge [sflag:s18], $0x800  }
0x39: {  	s20 =	simm.s32 $0x185;
	[sflag:s18] =	ssyncset.done $0x0  }
.LBB2_10:
0x3a: {  	p3 =	sne.s32 s20, $0x1;
	s20 =	sadd.s32 $0xFFFFFFFF, s20;
	[sflag:s18] =	ssyncadd.s32 $0xFFFFF800  }
.Ltmp4:
0x3b: {  	(pc) =	sbr.rel @p3 .LBB2_10-.Ltmp4, $3  }
0x3c: {  	_ =	sdelay $0x1  }
0x3d: {  	_ =	swait.ge [sflag:s18], $0x800  }
0x3e: {  	[sflag:s18] =	ssyncset.done $0x0  }
.Ltmp5:
0x3f: {  	(pc) =	sbr.rel @p1 .LBB2_13-.Ltmp5, $4  }
.Ltmp6:
0x40: {  	(pc) =	sbr.rel @!p1 .LBB2_12-.Ltmp6, $4  }
0x41: {  	_ = 	snop  }
0x42: {  	_ = 	snop  }
0x43: {  	[sflag:s18] =	ssyncadd.s32 $0xFFFFF800  }
0x44: {  	_ = 	snop  }
.LBB2_2:
0x45: {  	[tilespmem:s16], [sflag:$0x2] =	stream.linear.gather [hbm4b:s7+s3], $0xC300, $0x38;
	[tilespmem:$0x18ED0] =	vst v63  }
0x46: {  	_ =	swait.ge [sflag:s14], $0xC300  }
0x47: {  	[sflag:s14] =	ssyncset.done $0x0  }
0x48: {  	s20 =	simm.s32 @!p1 $0x0;
	s21 =	simm.s32 @!p1 $0x18650;
	[sflag:s14] =	ssyncadd.s32 $0xFFFF3D00  }
0x49: {  	[tilespmem:s21], [sflag:$0x2] =	stream.linear.gather @!p1 [hbm4b:s8+s20], $0x80, $0x38;
	[tilespmem:$0x18ED0] =	vst v63  }
0x4a: {  	s20 =	simm.s32 @!p1 $0x2  }
0x4b: {  	_ =	swait.ge @!p1 [sflag:s20], $0x80  }
0x4c: {  	[sflag:s20] =	ssyncset.done @!p1 $0x0  }
0x4d: {  	[sflag:s20] =	ssyncadd.s32 @!p1 $0xFFFFFF80  }
0x4e: {  	s21 =	simm.s32 $0xC350;
	s20 =	simm.s32 $0x200;
	[bflag:$0x0] =	sbarrier.arrive $0xFFFF  }
.LBB2_3:
0x4f: {  	[spmem:s2] =	stream.indirect.scatter.add.f32 [tilespmem:s15], [sflag:$0x1], $0x10, s21, s17, $0xb8;
	[tilespmem:$0x18ED0] =	vst v63  }
0x50: {  	s21 =	smov.u32 s20;
	p3 =	sne.s32 s20, $0x30A00  }
.Ltmp7:
0x51: {  	s20 =	sadd.s32 $0x200, s20;
	(pc) =	sbr.rel @p3 .LBB2_3-.Ltmp7, $3  }
0x52: {  	_ =	sdelay $0x1  }
0x53: {  	s21 =	sshra.s32 s21, $0x2  }
0x54: {  	s21 =	sadd.s32 $0xC350, s21  }
0x55: {  	[spmem:s2] =	stream.indirect.scatter.add.f32 [tilespmem:s15], [sflag:$0x1], $0x10, s21, s17, $0xb8;
	[tilespmem:$0x18ED0] =	vst v63  }
0x56: {  	s20 =	simm.s32 @!p1 $0x80;
	s21 =	simm.s32 @!p1 $0x18650;
	s22 =	simm.s32 @!p1 $0x186D0  }
0x57: {  	[spmem:s2] =	stream.indirect.scatter.add.f32 @!p1 [tilespmem:s22], [sflag:$0x1], $0x10, s21, s20, $0xb8;
	[tilespmem:$0x18ED0] =	vst v63  }
0x58: {  	_ =	swait.ge [sflag:s18], $0x800  }
0x59: {  	s20 =	simm.s32 $0x185;
	[sflag:s18] =	ssyncset.done $0x0  }
.LBB2_5:
0x5a: {  	p3 =	sne.s32 s20, $0x1;
	s20 =	sadd.s32 $0xFFFFFFFF, s20;
	[sflag:s18] =	ssyncadd.s32 $0xFFFFF800  }
.Ltmp8:
0x5b: {  	(pc) =	sbr.rel @p3 .LBB2_5-.Ltmp8, $3  }
0x5c: {  	_ =	sdelay $0x1  }
0x5d: {  	_ =	swait.ge [sflag:s18], $0x800  }
0x5e: {  	[sflag:s18] =	ssyncset.done $0x0  }
.Ltmp9:
0x5f: {  	(pc) =	sbr.rel @p2 .LBB2_12-.Ltmp9, $4  }
.Ltmp10:
0x60: {  	(pc) =	sbr.rel @!p2 .LBB2_13-.Ltmp10, $4  }
0x61: {  	_ = 	snop  }
0x62: {  	_ = 	snop  }
0x63: {  	[sflag:s18] =	ssyncadd.s32 $0xFFFFF800  }
0x64: {  	_ = 	snop  }
.LBB2_14:
0x65: {  	_ =	sfence.sel $0x180000  }
0x66: {  	[bflag:$0x0] =	sbarrier.arrive $0xFFFF  }
0x67: {  	p0 =	sne.s32 s1, $0x0;
	_ =	strace $0x90000047  }
0x68: {  	s0 =	sadd.s32 @!p0 $0x100000, s0;
	[bflag:$0x2] =	sbarrier.arrive $0xFFFF  }
0x69: {  	[sflag:s0] =	ssyncadd.tile.s32 @!p0 $0x1;
	_ =	shalt  }
.Lfunc_end2:
_tile_overlayer_lowered:
.L_overlay_start_2:
0x6a: {  	(tag) =	ssettag $0x2  }
0x6b: {  	s0 =	rddreg [dreg:$0x0];
	s2 =	stileid.u32  }
0x6c: {  	s1 =	rddreg [dreg:$0x1];
	p0 =	sne.s32 s2, $0x0  }
0x6d: {  	s3 =	rddreg [dreg:$0x2];
	[bflag:$0x3] =	sbarrier.arrive $0xFFFF;
	s2 =	simm.s32 @!p0 $0x1C02  }
0x6e: {  	[timem:s3], [sflag:s2] =	dma.local @!p0 [hbm:s0], s1  }
0x6f: {  	s0 =	simm.s32 @!p0 $0x2  }
0x70: {  	_ =	swait.ge @!p0 [sflag:s0], s1  }
0x71: {  	s1 =	ssub.s32 @!p0 $0x0, s1;
	[sflag:s0] =	ssyncset.done @!p0 $0x0  }
0x72: {  	[sflag:s0] =	ssyncadd.s32 @!p0 s1  }
0x73: {  	[bflag:$0x3] =	sbarrier.arrive $0xFFFF  }
0x74: {  	_ =	shalt  }

</sc_bundles>
